<compile_context>
chip_gen: v7x
topology: tpu7x:2x2x1
jax: 0.10.2.dev20260603
libtpu: 0.0.44.dev20260713+nightly
codegen_flags: <defaults>
</compile_context>

<pallas_src>
import jax
import jax.numpy as jnp
from jax import lax
from jax.experimental import pallas as pl
from jax.experimental.pallas import tpu as pltpu
from jax.experimental.pallas import tpu_sc as plsc

_BF = jnp.bfloat16


def _mm(a, b):
    return lax.dot_general(a.astype(_BF), b, (((1,), (0,)), ((), ())),
                           preferred_element_type=jnp.float32)


def _shift_down(a):
    return jnp.concatenate([jnp.zeros((1, a.shape[1]), a.dtype), a[:-1]], axis=0)


def _shift_up(a):
    return jnp.concatenate([a[1:], jnp.zeros((1, a.shape[1]), a.dtype)], axis=0)


def _enc_layer(phases, w, b):
    m = len(phases)
    out = []
    for q in range(m // 2):
        lo = 2 * q - 1
        a = _shift_down(phases[m - 1]) if lo < 0 else phases[lo]
        cat = jnp.concatenate([a, phases[2 * q], phases[2 * q + 1]], axis=1)
        out.append(jax.nn.relu(_mm(cat, w) + b))
    return out


def _dec_layer(phases, w1, w20, b):
    m = len(phases)
    out = []
    for i in range(m):
        out.append(jax.nn.relu(_mm(phases[i], w1) + b))
        nxt = phases[i + 1] if i < m - 1 else _shift_up(phases[0])
        cat = jnp.concatenate([phases[i], nxt], axis=1)
        out.append(jax.nn.relu(_mm(cat, w20) + b))
    return out


def _encoder_body(xp_ref, wpt_ref, bp_ref, w1_ref, b1_ref, w2_ref, b2_ref,
                  w3_ref, b3_ref, wqt_ref, bq_ref, cbt_ref, cbn2_ref,
                  z_ref, idx_ref):
    x = xp_ref[0]
    wpt = wpt_ref[...]
    bp = bp_ref[...]
    h = [_mm(x[p], wpt) + bp for p in range(8)]

    y = _enc_layer(h, w1_ref[...], b1_ref[...])
    y = _enc_layer(y, w2_ref[...], b2_ref[...])
    y = _enc_layer(y, w3_ref[...], b3_ref[...])
    z = _mm(y[0], wqt_ref[...]) + bq_ref[...]
    z_ref[0] = z

    zc = _mm(z, cbt_ref[...])
    zn2 = jnp.sum(z * z, axis=1, keepdims=True)
    d2 = zn2 - 2.0 * zc + cbn2_ref[...]
    dist = jnp.sqrt(jnp.maximum(d2, 0.0))
    mn = jnp.min(dist, axis=1, keepdims=True)
    iota = lax.broadcasted_iota(jnp.int32, dist.shape, 1)
    idx = jnp.min(jnp.where(dist == mn, iota, dist.shape[1]), axis=1)
    idx_ref[0, 0] = idx


def _decoder_body(zq_ref, w1a_ref, w1b_ref, b1_ref, w2a_ref, w2b_ref, b2_ref,
                  w3a_ref, w3b_ref, b3_ref, wot_ref, bo_ref, rec_ref):
    g = zq_ref[0]
    r = _dec_layer([g], w1a_ref[...], w1b_ref[...], b1_ref[...])
    r = _dec_layer(r, w2a_ref[...], w2b_ref[...], b2_ref[...])
    r = _dec_layer(r, w3a_ref[...], w3b_ref[...], b3_ref[...])
    wot = wot_ref[...]
    bo = bo_ref[...]
    for j in range(8):
        rec_ref[0, j] = _mm(r[j], wot) + bo


def _sc_gather(codebook, indices):
    n = indices.shape[0]
    d = codebook.shape[1]
    nw = 32
    bpw = n // nw
    nfly = 4
    ck = bpw // nfly
    mesh = plsc.VectorSubcoreMesh(core_axis_name="c", subcore_axis_name="s")

    @pl.kernel(out_type=jax.ShapeDtypeStruct((n, d), codebook.dtype),
               mesh=mesh,
               scratch_types=[pltpu.VMEM((bpw,), jnp.int32),
                              pltpu.VMEM((bpw, d), codebook.dtype),
                              pltpu.SemaphoreType.DMA])
    def gather_kernel(cb_hbm, i_hbm, o_hbm, idx_v, rows_v, sem):
        wid = lax.axis_index("s") * 2 + lax.axis_index("c")
        base = wid * bpw
        pltpu.sync_copy(i_hbm.at[pl.ds(base, bpw)], idx_v)
        copies = [pltpu.async_copy(cb_hbm.at[idx_v.at[pl.ds(j * ck, ck)]],
                                   rows_v.at[pl.ds(j * ck, ck)], sem)
                  for j in range(nfly)]
        for c in copies:
            c.wait()
        pltpu.sync_copy(rows_v, o_hbm.at[pl.ds(base, bpw)])

    return gather_kernel(codebook, indices)


def _encode(xp, wpt, bp, w1, b1, w2, b2, w3, b3, wqt, bq, cbt, cbn2,
            interpret=False):
    B, P, U, F = xp.shape
    H = wpt.shape[1]
    K = cbt.shape[1]
    D = wqt.shape[1]
    full = lambda *shape: pl.BlockSpec(shape, lambda b: (0,) * len(shape))
    return pl.pallas_call(
        _encoder_body,
        grid=(B,),
        in_specs=[
            pl.BlockSpec((1, P, U, F), lambda b: (b, 0, 0, 0)),
            full(F, H), full(1, H),
            full(3 * H, H), full(1, H),
            full(3 * H, H), full(1, H),
            full(3 * H, H), full(1, H),
            full(H, D), full(1, D),
            full(D, K), full(1, K),
        ],
        out_specs=[
            pl.BlockSpec((1, U, D), lambda b: (b, 0, 0)),
            pl.BlockSpec((1, 1, U), lambda b: (b, 0, 0)),
        ],
        out_shape=[
            jax.ShapeDtypeStruct((B, U, D), jnp.float32),
            jax.ShapeDtypeStruct((B, 1, U), jnp.int32),
        ],
        interpret=interpret,
    )(xp, wpt, bp, w1, b1, w2, b2, w3, b3, wqt, bq, cbt, cbn2)


def _decode(zq_rows, w1a, w1b, b1, w2a, w2b, b2, w3a, w3b, b3, wot, bo,
            interpret=False):
    B, U, D = zq_rows.shape
    H = w1b.shape[1]
    F = wot.shape[1]
    full = lambda *shape: pl.BlockSpec(shape, lambda b: (0,) * len(shape))
    return pl.pallas_call(
        _decoder_body,
        grid=(B,),
        in_specs=[
            pl.BlockSpec((1, U, D), lambda b: (b, 0, 0)),
            full(D, H), full(2 * D, H), full(1, H),
            full(H, H), full(2 * H, H), full(1, H),
            full(H, H), full(2 * H, H), full(1, H),
            full(H, F), full(1, F),
        ],
        out_specs=pl.BlockSpec((1, 8, U, F), lambda b: (b, 0, 0, 0)),
        out_shape=jax.ShapeDtypeStruct((B, 8, U, F), jnp.float32),
        interpret=interpret,
    )(zq_rows, w1a, w1b, b1, w2a, w2b, b2, w3a, w3b, b3, wot, bo)


def kernel(x, Wp, bp, We1, be1, We2, be2, We3, be3, Wq, bq, codebook,
           Wd1, bd1, Wd2, bd2, Wd3, bd3, Wo, bo):
    B, F, T = x.shape
    H = Wp.shape[0]
    K, D = codebook.shape
    P = 8
    U = T // P

    xp = x.transpose(0, 2, 1).reshape(B, U, P, F).transpose(0, 2, 1, 3)
    wpt = Wp.T.astype(_BF)
    enc_w = lambda w: w.transpose(2, 1, 0).reshape(3 * H, H).astype(_BF)
    w1t, w2t, w3t = enc_w(We1), enc_w(We2), enc_w(We3)
    wqt = Wq[:, :, 0].T.astype(_BF)
    cbt = codebook.T.astype(_BF)
    cbn2 = jnp.sum(codebook ** 2, axis=1).reshape(1, K)
    dec_w1 = lambda w: w[:, :, 1].astype(_BF)
    dec_w20 = lambda w: jnp.concatenate([w[:, :, 2], w[:, :, 0]], axis=0).astype(_BF)
    wot = Wo.T.astype(_BF)
    r1 = lambda v: v.reshape(1, -1)

    z_rows, idx = _encode(xp, wpt, r1(bp), w1t, r1(be1), w2t, r1(be2),
                          w3t, r1(be3), wqt, r1(bq), cbt, cbn2)
    indices = idx.reshape(B * U)
    z = z_rows.transpose(0, 2, 1)

    zq_rows = _sc_gather(codebook, indices)
    z_q = zq_rows.reshape(B, U, D).transpose(0, 2, 1)

    rec = _decode(zq_rows.reshape(B, U, D),
                  dec_w1(Wd1), dec_w20(Wd1), r1(bd1),
                  dec_w1(Wd2), dec_w20(Wd2), r1(bd2),
                  dec_w1(Wd3), dec_w20(Wd3), r1(bd3), wot, r1(bo))
    recon = rec.transpose(0, 3, 2, 1).reshape(B, F, T)
    return (recon, z, z_q, indices)

# --- scband reference (transcript-rebuilt; emitter-appended) ---
"""Pipeline reference for scband-vqvae-90151363543065 (READ-ONLY COPY).

The authoritative reference and input builder live on the scoring server;
editing this copy changes nothing except your own understanding.
"""

import jax, jax.numpy as jnp
import numpy as np
from jax import lax


def _conv1d(x, w, b, stride, padding):
    y = lax.conv_general_dilated(x, w, window_strides=(stride,), padding=[(padding, padding)], dimension_numbers=('NCH', 'OIH', 'NCH'))
    return y + b[None, :, None]


def _conv_transpose1d(x, w, b, stride, padding, output_padding):
    # w is in torch ConvTranspose1d layout [C_in, C_out, K]
    k = w.shape[-1]
    w2 = jnp.transpose(jnp.flip(w, axis=-1), (1, 0, 2))  # [C_out, C_in, K]
    pad_lo = k - 1 - padding
    pad_hi = k - 1 - padding + output_padding
    y = lax.conv_general_dilated(x, w2, window_strides=(1,), padding=[(pad_lo, pad_hi)], lhs_dilation=(stride,), dimension_numbers=('NCH', 'OIH', 'NCH'))
    return y + b[None, :, None]


def setup_inputs(seed: int = 0):
    key = jax.random.key(seed)
    ks = jax.random.split(key, 12)
    feature_dim, hidden_dim, codebook_size, code_dim = 20, 256, 2048, 256
    B, T = 16, 2048
    s = 0.05
    inp = {}
    inp['x'] = jax.random.normal(ks[0], (B, feature_dim, T), dtype=jnp.float32)
    inp['Wp'] = jax.random.normal(ks[1], (hidden_dim, feature_dim), dtype=jnp.float32) * s
    inp['bp'] = jnp.zeros((hidden_dim,), dtype=jnp.float32)
    inp['We1'] = jax.random.normal(ks[2], (hidden_dim, hidden_dim, 3), dtype=jnp.float32) * s
    inp['be1'] = jnp.zeros((hidden_dim,), dtype=jnp.float32)
    inp['We2'] = jax.random.normal(ks[3], (hidden_dim, hidden_dim, 3), dtype=jnp.float32) * s
    inp['be2'] = jnp.zeros((hidden_dim,), dtype=jnp.float32)
    inp['We3'] = jax.random.normal(ks[4], (hidden_dim, hidden_dim, 3), dtype=jnp.float32) * s
    inp['be3'] = jnp.zeros((hidden_dim,), dtype=jnp.float32)
    inp['Wq'] = jax.random.normal(ks[5], (code_dim, hidden_dim, 1), dtype=jnp.float32) * s
    inp['bq'] = jnp.zeros((code_dim,), dtype=jnp.float32)
    inp['codebook'] = jax.random.normal(ks[6], (codebook_size, code_dim), dtype=jnp.float32)
    inp['Wd1'] = jax.random.normal(ks[7], (code_dim, hidden_dim, 3), dtype=jnp.float32) * s
    inp['bd1'] = jnp.zeros((hidden_dim,), dtype=jnp.float32)
    inp['Wd2'] = jax.random.normal(ks[8], (hidden_dim, hidden_dim, 3), dtype=jnp.float32) * s
    inp['bd2'] = jnp.zeros((hidden_dim,), dtype=jnp.float32)
    inp['Wd3'] = jax.random.normal(ks[9], (hidden_dim, hidden_dim, 3), dtype=jnp.float32) * s
    inp['bd3'] = jnp.zeros((hidden_dim,), dtype=jnp.float32)
    inp['Wo'] = jax.random.normal(ks[10], (feature_dim, hidden_dim), dtype=jnp.float32) * s
    inp['bo'] = jnp.zeros((feature_dim,), dtype=jnp.float32)
    return inp


def reference(x, Wp, bp, We1, be1, We2, be2, We3, be3, Wq, bq, codebook, Wd1, bd1, Wd2, bd2, Wd3, bd3, Wo, bo):
    # projection (applied on [B, T, F])
    h = jnp.transpose(x, (0, 2, 1)) @ Wp.T + bp
    h = jnp.transpose(h, (0, 2, 1))
    # encoder: 3x (Conv1d stride 2 + ReLU)
    z = jax.nn.relu(_conv1d(h, We1, be1, 2, 1))
    z = jax.nn.relu(_conv1d(z, We2, be2, 2, 1))
    z = jax.nn.relu(_conv1d(z, We3, be3, 2, 1))
    # pre-quant 1x1 conv
    z = _conv1d(z, Wq, bq, 1, 0)
    B, C, L = z.shape
    z_flat = jnp.transpose(z, (0, 2, 1)).reshape(-1, C)
    # torch.cdist (euclidean)
    d2 = jnp.sum(z_flat ** 2, axis=1, keepdims=True) - 2.0 * (z_flat @ codebook.T) + jnp.sum(codebook ** 2, axis=1)[None, :]
    dist = jnp.sqrt(jnp.maximum(d2, 0.0))
    indices = jnp.argmin(dist, axis=1)
    z_q_flat = jnp.take(codebook, indices, axis=0)
    z_q = jnp.transpose(z_q_flat.reshape(B, L, C), (0, 2, 1))
    # straight-through estimator
    z_q = z + lax.stop_gradient(z_q - z)
    # decoder: 3x (ConvTranspose1d stride 2 + ReLU)
    r = jax.nn.relu(_conv_transpose1d(z_q, Wd1, bd1, 2, 1, 1))
    r = jax.nn.relu(_conv_transpose1d(r, Wd2, bd2, 2, 1, 1))
    r = jax.nn.relu(_conv_transpose1d(r, Wd3, bd3, 2, 1, 1))
    r = jnp.transpose(r, (0, 2, 1)) @ Wo.T + bo
    recon = jnp.transpose(r, (0, 2, 1))
    return (recon, z, z_q, indices)

if __name__ == "__main__":
    import jax
    _d = setup_inputs()
    print(jax.jit(kernel)(*tuple(_d.values())))

</pallas_src>

<mosaic_0001>
#map = affine_map<(d0, d1) -> (0, 0)>
#map1 = affine_map<(d0, d1) -> (0)>
module attributes {stable_mosaic.version = 14 : i64} {
  func.func @gather_kernel(%arg0: i32, %arg1: i32, %arg2: memref<2048x256xf32, #tpu.memory_space<hbm>>, %arg3: memref<4096xi32, #tpu.memory_space<hbm>>, %arg4: memref<4096x256xf32, #tpu.memory_space<hbm>>, %arg5: memref<128xi32, #tpu.memory_space<vmem>>, %arg6: memref<128x256xf32, #tpu.memory_space<vmem>>, %arg7: memref<!tpu.dma_semaphore, #tpu.memory_space<semaphore_mem>>) attributes {dimension_semantics = [#tpu.dimension_semantics<core_parallel>, #tpu.dimension_semantics<subcore_parallel>], iteration_bounds = array<i64: 2, 16>, scalar_prefetch = 0 : i64, scratch_operands = 3 : i64, tpu.core_type = #tpu.core_type<sc_vector_subcore>, window_params = [{transform_indices = #map}, {transform_indices = #map1}, {transform_indices = #map}]} {
    %mul3A = arith.constant 2 : i32
    %mul3A_0 = arith.muli %arg1, %mul3A : i32
    %add3A = arith.addi %mul3A_0, %arg0 : i32
    %mul3A_1 = arith.constant 128 : i32
    %mul3A_2 = arith.muli %add3A, %mul3A_1 : i32
    "tpu.region"() ({
      %run_scoped3A = tpu.sem_alloc : memref<!tpu.dma_semaphore, #tpu.memory_space<semaphore_mem>>
      %dma_start3A_65 = tpu.memref_slice %arg3[%mul3A_2] : memref<4096xi32, #tpu.memory_space<hbm>> -> memref<128xi32, #tpu.memory_space<hbm>>
      %dma_start3A_66 = tpu.memref_slice %arg3[%mul3A_2] : memref<4096xi32, #tpu.memory_space<hbm>> -> memref<128xi32, #tpu.memory_space<hbm>>
      tpu.enqueue_dma source(%dma_start3A_66 : memref<128xi32, #tpu.memory_space<hbm>>) target(%arg5 : memref<128xi32, #tpu.memory_space<vmem>>) target_semaphore(%run_scoped3A : memref<!tpu.dma_semaphore, #tpu.memory_space<semaphore_mem>>)
      %dma_wait3A_67 = tpu.memref_slice %arg3[%mul3A_2] : memref<4096xi32, #tpu.memory_space<hbm>> -> memref<128xi32, #tpu.memory_space<hbm>>
      %dma_wait3A_68 = tpu.memref_slice %arg3[%mul3A_2] : memref<4096xi32, #tpu.memory_space<hbm>> -> memref<128xi32, #tpu.memory_space<hbm>>
      tpu.wait_dma2 semaphore(%run_scoped3A : memref<!tpu.dma_semaphore, #tpu.memory_space<semaphore_mem>>) src(%dma_wait3A_68 : memref<128xi32, #tpu.memory_space<hbm>>) dst(%arg5 : memref<128xi32, #tpu.memory_space<vmem>>)
      tpu.yield
    }) : () -> ()
    %dma_start3A = arith.constant 0 : i32
    %dma_start3A_3 = arith.constant 0 : i32
    %dma_start3A_4 = tpu.memref_slice %arg6[%dma_start3A, %dma_start3A_3] : memref<128x256xf32, #tpu.memory_space<vmem>> -> memref<32x256xf32, #tpu.memory_space<vmem>>
    %dma_start3A_5 = arith.constant 0 : i32
    %dma_start3A_6 = tpu.memref_slice %arg5[%dma_start3A_5] : memref<128xi32, #tpu.memory_space<vmem>> -> memref<32xi32, #tpu.memory_space<vmem>>
    %dma_start3A_7 = arith.constant 0 : i32
    %dma_start3A_8 = arith.constant 0 : i32
    %dma_start3A_9 = tpu.memref_slice %arg2[%dma_start3A_7, %dma_start3A_8] : memref<2048x256xf32, #tpu.memory_space<hbm>> -> memref<2048x256xf32, #tpu.memory_space<hbm>>
    tpu.enqueue_indirect_dma source(%dma_start3A_9 : memref<2048x256xf32, #tpu.memory_space<hbm>>) target(%dma_start3A_4 : memref<32x256xf32, #tpu.memory_space<vmem>>) offsets(%dma_start3A_6 : memref<32xi32, #tpu.memory_space<vmem>>) semaphore(%arg7 : memref<!tpu.dma_semaphore, #tpu.memory_space<semaphore_mem>>)
    %dma_start3A_10 = arith.constant 32 : i32
    %dma_start3A_11 = arith.constant 0 : i32
    %dma_start3A_12 = tpu.memref_slice %arg6[%dma_start3A_10, %dma_start3A_11] : memref<128x256xf32, #tpu.memory_space<vmem>> -> memref<32x256xf32, #tpu.memory_space<vmem>>
    %dma_start3A_13 = arith.constant 32 : i32
    %dma_start3A_14 = tpu.memref_slice %arg5[%dma_start3A_13] : memref<128xi32, #tpu.memory_space<vmem>> -> memref<32xi32, #tpu.memory_space<vmem>>
    %dma_start3A_15 = arith.constant 0 : i32
    %dma_start3A_16 = arith.constant 0 : i32
    %dma_start3A_17 = tpu.memref_slice %arg2[%dma_start3A_15, %dma_start3A_16] : memref<2048x256xf32, #tpu.memory_space<hbm>> -> memref<2048x256xf32, #tpu.memory_space<hbm>>
    tpu.enqueue_indirect_dma source(%dma_start3A_17 : memref<2048x256xf32, #tpu.memory_space<hbm>>) target(%dma_start3A_12 : memref<32x256xf32, #tpu.memory_space<vmem>>) offsets(%dma_start3A_14 : memref<32xi32, #tpu.memory_space<vmem>>) semaphore(%arg7 : memref<!tpu.dma_semaphore, #tpu.memory_space<semaphore_mem>>)
    %dma_start3A_18 = arith.constant 64 : i32
    %dma_start3A_19 = arith.constant 0 : i32
    %dma_start3A_20 = tpu.memref_slice %arg6[%dma_start3A_18, %dma_start3A_19] : memref<128x256xf32, #tpu.memory_space<vmem>> -> memref<32x256xf32, #tpu.memory_space<vmem>>
    %dma_start3A_21 = arith.constant 64 : i32
    %dma_start3A_22 = tpu.memref_slice %arg5[%dma_start3A_21] : memref<128xi32, #tpu.memory_space<vmem>> -> memref<32xi32, #tpu.memory_space<vmem>>
    %dma_start3A_23 = arith.constant 0 : i32
    %dma_start3A_24 = arith.constant 0 : i32
    %dma_start3A_25 = tpu.memref_slice %arg2[%dma_start3A_23, %dma_start3A_24] : memref<2048x256xf32, #tpu.memory_space<hbm>> -> memref<2048x256xf32, #tpu.memory_space<hbm>>
    tpu.enqueue_indirect_dma source(%dma_start3A_25 : memref<2048x256xf32, #tpu.memory_space<hbm>>) target(%dma_start3A_20 : memref<32x256xf32, #tpu.memory_space<vmem>>) offsets(%dma_start3A_22 : memref<32xi32, #tpu.memory_space<vmem>>) semaphore(%arg7 : memref<!tpu.dma_semaphore, #tpu.memory_space<semaphore_mem>>)
    %dma_start3A_26 = arith.constant 96 : i32
    %dma_start3A_27 = arith.constant 0 : i32
    %dma_start3A_28 = tpu.memref_slice %arg6[%dma_start3A_26, %dma_start3A_27] : memref<128x256xf32, #tpu.memory_space<vmem>> -> memref<32x256xf32, #tpu.memory_space<vmem>>
    %dma_start3A_29 = arith.constant 96 : i32
    %dma_start3A_30 = tpu.memref_slice %arg5[%dma_start3A_29] : memref<128xi32, #tpu.memory_space<vmem>> -> memref<32xi32, #tpu.memory_space<vmem>>
    %dma_start3A_31 = arith.constant 0 : i32
    %dma_start3A_32 = arith.constant 0 : i32
    %dma_start3A_33 = tpu.memref_slice %arg2[%dma_start3A_31, %dma_start3A_32] : memref<2048x256xf32, #tpu.memory_space<hbm>> -> memref<2048x256xf32, #tpu.memory_space<hbm>>
    tpu.enqueue_indirect_dma source(%dma_start3A_33 : memref<2048x256xf32, #tpu.memory_space<hbm>>) target(%dma_start3A_28 : memref<32x256xf32, #tpu.memory_space<vmem>>) offsets(%dma_start3A_30 : memref<32xi32, #tpu.memory_space<vmem>>) semaphore(%arg7 : memref<!tpu.dma_semaphore, #tpu.memory_space<semaphore_mem>>)
    %dma_wait3A = arith.constant 0 : i32
    %dma_wait3A_34 = arith.constant 0 : i32
    %dma_wait3A_35 = tpu.memref_slice %arg6[%dma_wait3A, %dma_wait3A_34] : memref<128x256xf32, #tpu.memory_space<vmem>> -> memref<32x256xf32, #tpu.memory_space<vmem>>
    %dma_wait3A_36 = arith.constant 0 : i32
    %dma_wait3A_37 = tpu.memref_slice %arg5[%dma_wait3A_36] : memref<128xi32, #tpu.memory_space<vmem>> -> memref<32xi32, #tpu.memory_space<vmem>>
    %dma_wait3A_38 = arith.constant 0 : i32
    %dma_wait3A_39 = arith.constant 0 : i32
    %dma_wait3A_40 = tpu.memref_slice %arg2[%dma_wait3A_38, %dma_wait3A_39] : memref<2048x256xf32, #tpu.memory_space<hbm>> -> memref<2048x256xf32, #tpu.memory_space<hbm>>
    tpu.wait_indirect_dma semaphore(%arg7 : memref<!tpu.dma_semaphore, #tpu.memory_space<semaphore_mem>>) src(%dma_wait3A_40 : memref<2048x256xf32, #tpu.memory_space<hbm>>) dst(%dma_wait3A_35 : memref<32x256xf32, #tpu.memory_space<vmem>>)
    %dma_wait3A_41 = arith.constant 32 : i32
    %dma_wait3A_42 = arith.constant 0 : i32
    %dma_wait3A_43 = tpu.memref_slice %arg6[%dma_wait3A_41, %dma_wait3A_42] : memref<128x256xf32, #tpu.memory_space<vmem>> -> memref<32x256xf32, #tpu.memory_space<vmem>>
    %dma_wait3A_44 = arith.constant 32 : i32
    %dma_wait3A_45 = tpu.memref_slice %arg5[%dma_wait3A_44] : memref<128xi32, #tpu.memory_space<vmem>> -> memref<32xi32, #tpu.memory_space<vmem>>
    %dma_wait3A_46 = arith.constant 0 : i32
    %dma_wait3A_47 = arith.constant 0 : i32
    %dma_wait3A_48 = tpu.memref_slice %arg2[%dma_wait3A_46, %dma_wait3A_47] : memref<2048x256xf32, #tpu.memory_space<hbm>> -> memref<2048x256xf32, #tpu.memory_space<hbm>>
    tpu.wait_indirect_dma semaphore(%arg7 : memref<!tpu.dma_semaphore, #tpu.memory_space<semaphore_mem>>) src(%dma_wait3A_48 : memref<2048x256xf32, #tpu.memory_space<hbm>>) dst(%dma_wait3A_43 : memref<32x256xf32, #tpu.memory_space<vmem>>)
    %dma_wait3A_49 = arith.constant 64 : i32
    %dma_wait3A_50 = arith.constant 0 : i32
    %dma_wait3A_51 = tpu.memref_slice %arg6[%dma_wait3A_49, %dma_wait3A_50] : memref<128x256xf32, #tpu.memory_space<vmem>> -> memref<32x256xf32, #tpu.memory_space<vmem>>
    %dma_wait3A_52 = arith.constant 64 : i32
    %dma_wait3A_53 = tpu.memref_slice %arg5[%dma_wait3A_52] : memref<128xi32, #tpu.memory_space<vmem>> -> memref<32xi32, #tpu.memory_space<vmem>>
    %dma_wait3A_54 = arith.constant 0 : i32
    %dma_wait3A_55 = arith.constant 0 : i32
    %dma_wait3A_56 = tpu.memref_slice %arg2[%dma_wait3A_54, %dma_wait3A_55] : memref<2048x256xf32, #tpu.memory_space<hbm>> -> memref<2048x256xf32, #tpu.memory_space<hbm>>
    tpu.wait_indirect_dma semaphore(%arg7 : memref<!tpu.dma_semaphore, #tpu.memory_space<semaphore_mem>>) src(%dma_wait3A_56 : memref<2048x256xf32, #tpu.memory_space<hbm>>) dst(%dma_wait3A_51 : memref<32x256xf32, #tpu.memory_space<vmem>>)
    %dma_wait3A_57 = arith.constant 96 : i32
    %dma_wait3A_58 = arith.constant 0 : i32
    %dma_wait3A_59 = tpu.memref_slice %arg6[%dma_wait3A_57, %dma_wait3A_58] : memref<128x256xf32, #tpu.memory_space<vmem>> -> memref<32x256xf32, #tpu.memory_space<vmem>>
    %dma_wait3A_60 = arith.constant 96 : i32
    %dma_wait3A_61 = tpu.memref_slice %arg5[%dma_wait3A_60] : memref<128xi32, #tpu.memory_space<vmem>> -> memref<32xi32, #tpu.memory_space<vmem>>
    %dma_wait3A_62 = arith.constant 0 : i32
    %dma_wait3A_63 = arith.constant 0 : i32
    %dma_wait3A_64 = tpu.memref_slice %arg2[%dma_wait3A_62, %dma_wait3A_63] : memref<2048x256xf32, #tpu.memory_space<hbm>> -> memref<2048x256xf32, #tpu.memory_space<hbm>>
    tpu.wait_indirect_dma semaphore(%arg7 : memref<!tpu.dma_semaphore, #tpu.memory_space<semaphore_mem>>) src(%dma_wait3A_64 : memref<2048x256xf32, #tpu.memory_space<hbm>>) dst(%dma_wait3A_59 : memref<32x256xf32, #tpu.memory_space<vmem>>)
    "tpu.region"() ({
      %run_scoped3A = tpu.sem_alloc : memref<!tpu.dma_semaphore, #tpu.memory_space<semaphore_mem>>
      %dma_start3A_65 = arith.constant 0 : i32
      %dma_start3A_66 = tpu.memref_slice %arg4[%mul3A_2, %dma_start3A_65] : memref<4096x256xf32, #tpu.memory_space<hbm>> -> memref<128x256xf32, #tpu.memory_space<hbm>>
      %dma_start3A_67 = arith.constant 0 : i32
      %dma_start3A_68 = tpu.memref_slice %arg4[%mul3A_2, %dma_start3A_67] : memref<4096x256xf32, #tpu.memory_space<hbm>> -> memref<128x256xf32, #tpu.memory_space<hbm>>
      tpu.enqueue_dma source(%arg6 : memref<128x256xf32, #tpu.memory_space<vmem>>) target(%dma_start3A_68 : memref<128x256xf32, #tpu.memory_space<hbm>>) target_semaphore(%run_scoped3A : memref<!tpu.dma_semaphore, #tpu.memory_space<semaphore_mem>>)
      %dma_wait3A_69 = arith.constant 0 : i32
      %dma_wait3A_70 = tpu.memref_slice %arg4[%mul3A_2, %dma_wait3A_69] : memref<4096x256xf32, #tpu.memory_space<hbm>> -> memref<128x256xf32, #tpu.memory_space<hbm>>
      %dma_wait3A_71 = arith.constant 0 : i32
      %dma_wait3A_72 = tpu.memref_slice %arg4[%mul3A_2, %dma_wait3A_71] : memref<4096x256xf32, #tpu.memory_space<hbm>> -> memref<128x256xf32, #tpu.memory_space<hbm>>
      tpu.wait_dma2 semaphore(%run_scoped3A : memref<!tpu.dma_semaphore, #tpu.memory_space<semaphore_mem>>) src(%arg6 : memref<128x256xf32, #tpu.memory_space<vmem>>) dst(%dma_wait3A_72 : memref<128x256xf32, #tpu.memory_space<hbm>>)
      tpu.yield
    }) : () -> ()
    return
  }
}

module attributes {stable_mosaic.version = 14 : i64} {
  func.func @_encoder_body(%arg0: i32, %arg1: memref<1x8x256x20xf32, #tpu.memory_space<vmem>>, %arg2: memref<20x256xbf16, #tpu.memory_space<vmem>>, %arg3: memref<1x256xf32, #tpu.memory_space<vmem>>, %arg4: memref<768x256xbf16, #tpu.memory_space<vmem>>, %arg5: memref<1x256xf32, #tpu.memory_space<vmem>>, %arg6: memref<768x256xbf16, #tpu.memory_space<vmem>>, %arg7: memref<1x256xf32, #tpu.memory_space<vmem>>, %arg8: memref<768x256xbf16, #tpu.memory_space<vmem>>, %arg9: memref<1x256xf32, #tpu.memory_space<vmem>>, %arg10: memref<256x256xbf16, #tpu.memory_space<vmem>>, %arg11: memref<1x256xf32, #tpu.memory_space<vmem>>, %arg12: memref<256x2048xbf16, #tpu.memory_space<vmem>>, %arg13: memref<1x2048xf32, #tpu.memory_space<vmem>>, %arg14: memref<1x256x256xf32, #tpu.memory_space<vmem>>, %arg15: memref<1x1x256xi32, #tpu.memory_space<vmem>>) attributes {dimension_semantics = [#tpu.dimension_semantics<arbitrary>], iteration_bounds = array<i64: 16>, scalar_prefetch = 0 : i64, scratch_operands = 0 : i64, tpu.core_type = #tpu.core_type<tc>, window_params = [{transform_indices = @transform_0, window_bounds = array<i64: 1, 8, 256, 20>}, {pipeline_mode = #tpu.pipeline_mode<synchronous>, transform_indices = @transform_1, window_bounds = array<i64: 20, 256>}, {pipeline_mode = #tpu.pipeline_mode<synchronous>, transform_indices = @transform_2, window_bounds = array<i64: 1, 256>}, {pipeline_mode = #tpu.pipeline_mode<synchronous>, transform_indices = @transform_3, window_bounds = array<i64: 768, 256>}, {pipeline_mode = #tpu.pipeline_mode<synchronous>, transform_indices = @transform_4, window_bounds = array<i64: 1, 256>}, {pipeline_mode = #tpu.pipeline_mode<synchronous>, transform_indices = @transform_5, window_bounds = array<i64: 768, 256>}, {pipeline_mode = #tpu.pipeline_mode<synchronous>, transform_indices = @transform_6, window_bounds = array<i64: 1, 256>}, {pipeline_mode = #tpu.pipeline_mode<synchronous>, transform_indices = @transform_7, window_bounds = array<i64: 768, 256>}, {pipeline_mode = #tpu.pipeline_mode<synchronous>, transform_indices = @transform_8, window_bounds = array<i64: 1, 256>}, {pipeline_mode = #tpu.pipeline_mode<synchronous>, transform_indices = @transform_9, window_bounds = array<i64: 256, 256>}, {pipeline_mode = #tpu.pipeline_mode<synchronous>, transform_indices = @transform_10, window_bounds = array<i64: 1, 256>}, {pipeline_mode = #tpu.pipeline_mode<synchronous>, transform_indices = @transform_11, window_bounds = array<i64: 256, 2048>}, {pipeline_mode = #tpu.pipeline_mode<synchronous>, transform_indices = @transform_12, window_bounds = array<i64: 1, 2048>}, {transform_indices = @transform_13, window_bounds = array<i64: 1, 256, 256>}, {transform_indices = @transform_14, window_bounds = array<i64: 1, 1, 256>}]} {
    %get3A = arith.constant 0 : index
    %get3A_0 = arith.constant 0 : index
    %get3A_1 = arith.constant 0 : index
    %get3A_2 = arith.constant 0 : index
    %get3A_3 = vector.load %arg1[%get3A, %get3A_0, %get3A_1, %get3A_2] : memref<1x8x256x20xf32, #tpu.memory_space<vmem>>, vector<1x8x256x20xf32>
    %get3A_4 = vector.shape_cast %get3A_3 : vector<1x8x256x20xf32> to vector<8x256x20xf32>
    %get3A_5 = arith.constant 0 : index
    %get3A_6 = arith.constant 0 : index
    %get3A_7 = vector.load %arg2[%get3A_5, %get3A_6] : memref<20x256xbf16, #tpu.memory_space<vmem>>, vector<20x256xbf16>
    %get3A_8 = arith.constant 0 : index
    %get3A_9 = arith.constant 0 : index
    %get3A_10 = vector.load %arg3[%get3A_8, %get3A_9] : memref<1x256xf32, #tpu.memory_space<vmem>>, vector<1x256xf32>
    %slice3A = vector.extract_strided_slice %get3A_4 {offsets = [0, 0, 0], sizes = [1, 256, 20], strides = [1, 1, 1]} : vector<8x256x20xf32> to vector<1x256x20xf32>
    %squeeze3A = vector.shape_cast %slice3A : vector<1x256x20xf32> to vector<256x20xf32>
    %convert_element_type3A = arith.truncf %squeeze3A : vector<256x20xf32> to vector<256x20xbf16>
    %dot_general3A = arith.constant dense<0.000000e+00> : vector<256x256xf32>
    %dot_general3A_11 = tpu.matmul %convert_element_type3A, %get3A_7, %dot_general3A {dimension_numbers = #tpu.dot_dimension_numbers<[1], [0], [0], [1], [0, 0, 1, 1], [], []>, transpose_lhs_hint = false} : vector<256x20xbf16>, vector<20x256xbf16>, vector<256x256xf32> -> vector<256x256xf32>
    %add3A = vector.broadcast %get3A_10 : vector<1x256xf32> to vector<256x256xf32>
    %add3A_12 = arith.addf %dot_general3A_11, %add3A : vector<256x256xf32>
    %slice3A_13 = vector.extract_strided_slice %get3A_4 {offsets = [1, 0, 0], sizes = [1, 256, 20], strides = [1, 1, 1]} : vector<8x256x20xf32> to vector<1x256x20xf32>
    %squeeze3A_14 = vector.shape_cast %slice3A_13 : vector<1x256x20xf32> to vector<256x20xf32>
    %convert_element_type3A_15 = arith.truncf %squeeze3A_14 : vector<256x20xf32> to vector<256x20xbf16>
    %dot_general3A_16 = arith.constant dense<0.000000e+00> : vector<256x256xf32>
    %dot_general3A_17 = tpu.matmul %convert_element_type3A_15, %get3A_7, %dot_general3A_16 {dimension_numbers = #tpu.dot_dimension_numbers<[1], [0], [0], [1], [0, 0, 1, 1], [], []>, transpose_lhs_hint = false} : vector<256x20xbf16>, vector<20x256xbf16>, vector<256x256xf32> -> vector<256x256xf32>
    %add3A_18 = vector.broadcast %get3A_10 : vector<1x256xf32> to vector<256x256xf32>
    %add3A_19 = arith.addf %dot_general3A_17, %add3A_18 : vector<256x256xf32>
    %slice3A_20 = vector.extract_strided_slice %get3A_4 {offsets = [2, 0, 0], sizes = [1, 256, 20], strides = [1, 1, 1]} : vector<8x256x20xf32> to vector<1x256x20xf32>
    %squeeze3A_21 = vector.shape_cast %slice3A_20 : vector<1x256x20xf32> to vector<256x20xf32>
    %convert_element_type3A_22 = arith.truncf %squeeze3A_21 : vector<256x20xf32> to vector<256x20xbf16>
    %dot_general3A_23 = arith.constant dense<0.000000e+00> : vector<256x256xf32>
    %dot_general3A_24 = tpu.matmul %convert_element_type3A_22, %get3A_7, %dot_general3A_23 {dimension_numbers = #tpu.dot_dimension_numbers<[1], [0], [0], [1], [0, 0, 1, 1], [], []>, transpose_lhs_hint = false} : vector<256x20xbf16>, vector<20x256xbf16>, vector<256x256xf32> -> vector<256x256xf32>
    %add3A_25 = vector.broadcast %get3A_10 : vector<1x256xf32> to vector<256x256xf32>
    %add3A_26 = arith.addf %dot_general3A_24, %add3A_25 : vector<256x256xf32>
    %slice3A_27 = vector.extract_strided_slice %get3A_4 {offsets = [3, 0, 0], sizes = [1, 256, 20], strides = [1, 1, 1]} : vector<8x256x20xf32> to vector<1x256x20xf32>
    %squeeze3A_28 = vector.shape_cast %slice3A_27 : vector<1x256x20xf32> to vector<256x20xf32>
    %convert_element_type3A_29 = arith.truncf %squeeze3A_28 : vector<256x20xf32> to vector<256x20xbf16>
    %dot_general3A_30 = arith.constant dense<0.000000e+00> : vector<256x256xf32>
    %dot_general3A_31 = tpu.matmul %convert_element_type3A_29, %get3A_7, %dot_general3A_30 {dimension_numbers = #tpu.dot_dimension_numbers<[1], [0], [0], [1], [0, 0, 1, 1], [], []>, transpose_lhs_hint = false} : vector<256x20xbf16>, vector<20x256xbf16>, vector<256x256xf32> -> vector<256x256xf32>
    %add3A_32 = vector.broadcast %get3A_10 : vector<1x256xf32> to vector<256x256xf32>
    %add3A_33 = arith.addf %dot_general3A_31, %add3A_32 : vector<256x256xf32>
    %slice3A_34 = vector.extract_strided_slice %get3A_4 {offsets = [4, 0, 0], sizes = [1, 256, 20], strides = [1, 1, 1]} : vector<8x256x20xf32> to vector<1x256x20xf32>
    %squeeze3A_35 = vector.shape_cast %slice3A_34 : vector<1x256x20xf32> to vector<256x20xf32>
    %convert_element_type3A_36 = arith.truncf %squeeze3A_35 : vector<256x20xf32> to vector<256x20xbf16>
    %dot_general3A_37 = arith.constant dense<0.000000e+00> : vector<256x256xf32>
    %dot_general3A_38 = tpu.matmul %convert_element_type3A_36, %get3A_7, %dot_general3A_37 {dimension_numbers = #tpu.dot_dimension_numbers<[1], [0], [0], [1], [0, 0, 1, 1], [], []>, transpose_lhs_hint = false} : vector<256x20xbf16>, vector<20x256xbf16>, vector<256x256xf32> -> vector<256x256xf32>
    %add3A_39 = vector.broadcast %get3A_10 : vector<1x256xf32> to vector<256x256xf32>
    %add3A_40 = arith.addf %dot_general3A_38, %add3A_39 : vector<256x256xf32>
    %slice3A_41 = vector.extract_strided_slice %get3A_4 {offsets = [5, 0, 0], sizes = [1, 256, 20], strides = [1, 1, 1]} : vector<8x256x20xf32> to vector<1x256x20xf32>
    %squeeze3A_42 = vector.shape_cast %slice3A_41 : vector<1x256x20xf32> to vector<256x20xf32>
    %convert_element_type3A_43 = arith.truncf %squeeze3A_42 : vector<256x20xf32> to vector<256x20xbf16>
    %dot_general3A_44 = arith.constant dense<0.000000e+00> : vector<256x256xf32>
    %dot_general3A_45 = tpu.matmul %convert_element_type3A_43, %get3A_7, %dot_general3A_44 {dimension_numbers = #tpu.dot_dimension_numbers<[1], [0], [0], [1], [0, 0, 1, 1], [], []>, transpose_lhs_hint = false} : vector<256x20xbf16>, vector<20x256xbf16>, vector<256x256xf32> -> vector<256x256xf32>
    %add3A_46 = vector.broadcast %get3A_10 : vector<1x256xf32> to vector<256x256xf32>
    %add3A_47 = arith.addf %dot_general3A_45, %add3A_46 : vector<256x256xf32>
    %slice3A_48 = vector.extract_strided_slice %get3A_4 {offsets = [6, 0, 0], sizes = [1, 256, 20], strides = [1, 1, 1]} : vector<8x256x20xf32> to vector<1x256x20xf32>
    %squeeze3A_49 = vector.shape_cast %slice3A_48 : vector<1x256x20xf32> to vector<256x20xf32>
    %convert_element_type3A_50 = arith.truncf %squeeze3A_49 : vector<256x20xf32> to vector<256x20xbf16>
    %dot_general3A_51 = arith.constant dense<0.000000e+00> : vector<256x256xf32>
    %dot_general3A_52 = tpu.matmul %convert_element_type3A_50, %get3A_7, %dot_general3A_51 {dimension_numbers = #tpu.dot_dimension_numbers<[1], [0], [0], [1], [0, 0, 1, 1], [], []>, transpose_lhs_hint = false} : vector<256x20xbf16>, vector<20x256xbf16>, vector<256x256xf32> -> vector<256x256xf32>
    %add3A_53 = vector.broadcast %get3A_10 : vector<1x256xf32> to vector<256x256xf32>
    %add3A_54 = arith.addf %dot_general3A_52, %add3A_53 : vector<256x256xf32>
    %slice3A_55 = vector.extract_strided_slice %get3A_4 {offsets = [7, 0, 0], sizes = [1, 256, 20], strides = [1, 1, 1]} : vector<8x256x20xf32> to vector<1x256x20xf32>
    %squeeze3A_56 = vector.shape_cast %slice3A_55 : vector<1x256x20xf32> to vector<256x20xf32>
    %convert_element_type3A_57 = arith.truncf %squeeze3A_56 : vector<256x20xf32> to vector<256x20xbf16>
    %dot_general3A_58 = arith.constant dense<0.000000e+00> : vector<256x256xf32>
    %dot_general3A_59 = tpu.matmul %convert_element_type3A_57, %get3A_7, %dot_general3A_58 {dimension_numbers = #tpu.dot_dimension_numbers<[1], [0], [0], [1], [0, 0, 1, 1], [], []>, transpose_lhs_hint = false} : vector<256x20xbf16>, vector<20x256xbf16>, vector<256x256xf32> -> vector<256x256xf32>
    %add3A_60 = vector.broadcast %get3A_10 : vector<1x256xf32> to vector<256x256xf32>
    %add3A_61 = arith.addf %dot_general3A_59, %add3A_60 : vector<256x256xf32>
    %get3A_62 = arith.constant 0 : index
    %get3A_63 = arith.constant 0 : index
    %get3A_64 = vector.load %arg4[%get3A_62, %get3A_63] : memref<768x256xbf16, #tpu.memory_space<vmem>>, vector<768x256xbf16>
    %get3A_65 = arith.constant 0 : index
    %get3A_66 = arith.constant 0 : index
    %get3A_67 = vector.load %arg5[%get3A_65, %get3A_66] : memref<1x256xf32, #tpu.memory_space<vmem>>, vector<1x256xf32>
    %broadcast_in_dim3A = arith.constant 0.000000e+00 : f32
    %broadcast_in_dim3A_68 = vector.broadcast %broadcast_in_dim3A : f32 to vector<1x256xf32>
    %slice3A_69 = vector.extract_strided_slice %add3A_61 {offsets = [0, 0], sizes = [255, 256], strides = [1, 1]} : vector<256x256xf32> to vector<255x256xf32>
    %concatenate3A = tpu.concatenate %broadcast_in_dim3A_68, %slice3A_69 in 0 : vector<1x256xf32>, vector<255x256xf32> -> vector<256x256xf32>
    %concatenate3A_70 = tpu.concatenate %concatenate3A, %add3A_12, %add3A_19 in 1 : vector<256x256xf32>, vector<256x256xf32>, vector<256x256xf32> -> vector<256x768xf32>
    %convert_element_type3A_71 = arith.truncf %concatenate3A_70 : vector<256x768xf32> to vector<256x768xbf16>
    %dot_general3A_72 = arith.constant dense<0.000000e+00> : vector<256x256xf32>
    %dot_general3A_73 = tpu.matmul %convert_element_type3A_71, %get3A_64, %dot_general3A_72 {dimension_numbers = #tpu.dot_dimension_numbers<[1], [0], [0], [1], [0, 0, 1, 1], [], []>, transpose_lhs_hint = false} : vector<256x768xbf16>, vector<768x256xbf16>, vector<256x256xf32> -> vector<256x256xf32>
    %add3A_74 = vector.broadcast %get3A_67 : vector<1x256xf32> to vector<256x256xf32>
    %add3A_75 = arith.addf %dot_general3A_73, %add3A_74 : vector<256x256xf32>
    %max3A = arith.constant 0.000000e+00 : f32
    %max3A_76 = vector.broadcast %max3A : f32 to vector<256x256xf32>
    %max3A_77 = arith.maximumf %add3A_75, %max3A_76 : vector<256x256xf32>
    %concatenate3A_78 = tpu.concatenate %add3A_19, %add3A_26, %add3A_33 in 1 : vector<256x256xf32>, vector<256x256xf32>, vector<256x256xf32> -> vector<256x768xf32>
    %convert_element_type3A_79 = arith.truncf %concatenate3A_78 : vector<256x768xf32> to vector<256x768xbf16>
    %dot_general3A_80 = arith.constant dense<0.000000e+00> : vector<256x256xf32>
    %dot_general3A_81 = tpu.matmul %convert_element_type3A_79, %get3A_64, %dot_general3A_80 {dimension_numbers = #tpu.dot_dimension_numbers<[1], [0], [0], [1], [0, 0, 1, 1], [], []>, transpose_lhs_hint = false} : vector<256x768xbf16>, vector<768x256xbf16>, vector<256x256xf32> -> vector<256x256xf32>
    %add3A_82 = vector.broadcast %get3A_67 : vector<1x256xf32> to vector<256x256xf32>
    %add3A_83 = arith.addf %dot_general3A_81, %add3A_82 : vector<256x256xf32>
    %max3A_84 = arith.constant 0.000000e+00 : f32
    %max3A_85 = vector.broadcast %max3A_84 : f32 to vector<256x256xf32>
    %max3A_86 = arith.maximumf %add3A_83, %max3A_85 : vector<256x256xf32>
    %concatenate3A_87 = tpu.concatenate %add3A_33, %add3A_40, %add3A_47 in 1 : vector<256x256xf32>, vector<256x256xf32>, vector<256x256xf32> -> vector<256x768xf32>
    %convert_element_type3A_88 = arith.truncf %concatenate3A_87 : vector<256x768xf32> to vector<256x768xbf16>
    %dot_general3A_89 = arith.constant dense<0.000000e+00> : vector<256x256xf32>
    %dot_general3A_90 = tpu.matmul %convert_element_type3A_88, %get3A_64, %dot_general3A_89 {dimension_numbers = #tpu.dot_dimension_numbers<[1], [0], [0], [1], [0, 0, 1, 1], [], []>, transpose_lhs_hint = false} : vector<256x768xbf16>, vector<768x256xbf16>, vector<256x256xf32> -> vector<256x256xf32>
    %add3A_91 = vector.broadcast %get3A_67 : vector<1x256xf32> to vector<256x256xf32>
    %add3A_92 = arith.addf %dot_general3A_90, %add3A_91 : vector<256x256xf32>
    %max3A_93 = arith.constant 0.000000e+00 : f32
    %max3A_94 = vector.broadcast %max3A_93 : f32 to vector<256x256xf32>
    %max3A_95 = arith.maximumf %add3A_92, %max3A_94 : vector<256x256xf32>
    %concatenate3A_96 = tpu.concatenate %add3A_47, %add3A_54, %add3A_61 in 1 : vector<256x256xf32>, vector<256x256xf32>, vector<256x256xf32> -> vector<256x768xf32>
    %convert_element_type3A_97 = arith.truncf %concatenate3A_96 : vector<256x768xf32> to vector<256x768xbf16>
    %dot_general3A_98 = arith.constant dense<0.000000e+00> : vector<256x256xf32>
    %dot_general3A_99 = tpu.matmul %convert_element_type3A_97, %get3A_64, %dot_general3A_98 {dimension_numbers = #tpu.dot_dimension_numbers<[1], [0], [0], [1], [0, 0, 1, 1], [], []>, transpose_lhs_hint = false} : vector<256x768xbf16>, vector<768x256xbf16>, vector<256x256xf32> -> vector<256x256xf32>
    %add3A_100 = vector.broadcast %get3A_67 : vector<1x256xf32> to vector<256x256xf32>
    %add3A_101 = arith.addf %dot_general3A_99, %add3A_100 : vector<256x256xf32>
    %max3A_102 = arith.constant 0.000000e+00 : f32
    %max3A_103 = vector.broadcast %max3A_102 : f32 to vector<256x256xf32>
    %max3A_104 = arith.maximumf %add3A_101, %max3A_103 : vector<256x256xf32>
    %get3A_105 = arith.constant 0 : index
    %get3A_106 = arith.constant 0 : index
    %get3A_107 = vector.load %arg6[%get3A_105, %get3A_106] : memref<768x256xbf16, #tpu.memory_space<vmem>>, vector<768x256xbf16>
    %get3A_108 = arith.constant 0 : index
    %get3A_109 = arith.constant 0 : index
    %get3A_110 = vector.load %arg7[%get3A_108, %get3A_109] : memref<1x256xf32, #tpu.memory_space<vmem>>, vector<1x256xf32>
    %broadcast_in_dim3A_111 = arith.constant 0.000000e+00 : f32
    %broadcast_in_dim3A_112 = vector.broadcast %broadcast_in_dim3A_111 : f32 to vector<1x256xf32>
    %slice3A_113 = vector.extract_strided_slice %max3A_104 {offsets = [0, 0], sizes = [255, 256], strides = [1, 1]} : vector<256x256xf32> to vector<255x256xf32>
    %concatenate3A_114 = tpu.concatenate %broadcast_in_dim3A_112, %slice3A_113 in 0 : vector<1x256xf32>, vector<255x256xf32> -> vector<256x256xf32>
    %concatenate3A_115 = tpu.concatenate %concatenate3A_114, %max3A_77, %max3A_86 in 1 : vector<256x256xf32>, vector<256x256xf32>, vector<256x256xf32> -> vector<256x768xf32>
    %convert_element_type3A_116 = arith.truncf %concatenate3A_115 : vector<256x768xf32> to vector<256x768xbf16>
    %dot_general3A_117 = arith.constant dense<0.000000e+00> : vector<256x256xf32>
    %dot_general3A_118 = tpu.matmul %convert_element_type3A_116, %get3A_107, %dot_general3A_117 {dimension_numbers = #tpu.dot_dimension_numbers<[1], [0], [0], [1], [0, 0, 1, 1], [], []>, transpose_lhs_hint = false} : vector<256x768xbf16>, vector<768x256xbf16>, vector<256x256xf32> -> vector<256x256xf32>
    %add3A_119 = vector.broadcast %get3A_110 : vector<1x256xf32> to vector<256x256xf32>
    %add3A_120 = arith.addf %dot_general3A_118, %add3A_119 : vector<256x256xf32>
    %max3A_121 = arith.constant 0.000000e+00 : f32
    %max3A_122 = vector.broadcast %max3A_121 : f32 to vector<256x256xf32>
    %max3A_123 = arith.maximumf %add3A_120, %max3A_122 : vector<256x256xf32>
    %concatenate3A_124 = tpu.concatenate %max3A_86, %max3A_95, %max3A_104 in 1 : vector<256x256xf32>, vector<256x256xf32>, vector<256x256xf32> -> vector<256x768xf32>
    %convert_element_type3A_125 = arith.truncf %concatenate3A_124 : vector<256x768xf32> to vector<256x768xbf16>
    %dot_general3A_126 = arith.constant dense<0.000000e+00> : vector<256x256xf32>
    %dot_general3A_127 = tpu.matmul %convert_element_type3A_125, %get3A_107, %dot_general3A_126 {dimension_numbers = #tpu.dot_dimension_numbers<[1], [0], [0], [1], [0, 0, 1, 1], [], []>, transpose_lhs_hint = false} : vector<256x768xbf16>, vector<768x256xbf16>, vector<256x256xf32> -> vector<256x256xf32>
    %add3A_128 = vector.broadcast %get3A_110 : vector<1x256xf32> to vector<256x256xf32>
    %add3A_129 = arith.addf %dot_general3A_127, %add3A_128 : vector<256x256xf32>
    %max3A_130 = arith.constant 0.000000e+00 : f32
    %max3A_131 = vector.broadcast %max3A_130 : f32 to vector<256x256xf32>
    %max3A_132 = arith.maximumf %add3A_129, %max3A_131 : vector<256x256xf32>
    %get3A_133 = arith.constant 0 : index
    %get3A_134 = arith.constant 0 : index
    %get3A_135 = vector.load %arg8[%get3A_133, %get3A_134] : memref<768x256xbf16, #tpu.memory_space<vmem>>, vector<768x256xbf16>
    %get3A_136 = arith.constant 0 : index
    %get3A_137 = arith.constant 0 : index
    %get3A_138 = vector.load %arg9[%get3A_136, %get3A_137] : memref<1x256xf32, #tpu.memory_space<vmem>>, vector<1x256xf32>
    %broadcast_in_dim3A_139 = arith.constant 0.000000e+00 : f32
    %broadcast_in_dim3A_140 = vector.broadcast %broadcast_in_dim3A_139 : f32 to vector<1x256xf32>
    %slice3A_141 = vector.extract_strided_slice %max3A_132 {offsets = [0, 0], sizes = [255, 256], strides = [1, 1]} : vector<256x256xf32> to vector<255x256xf32>
    %concatenate3A_142 = tpu.concatenate %broadcast_in_dim3A_140, %slice3A_141 in 0 : vector<1x256xf32>, vector<255x256xf32> -> vector<256x256xf32>
    %concatenate3A_143 = tpu.concatenate %concatenate3A_142, %max3A_123, %max3A_132 in 1 : vector<256x256xf32>, vector<256x256xf32>, vector<256x256xf32> -> vector<256x768xf32>
    %convert_element_type3A_144 = arith.truncf %concatenate3A_143 : vector<256x768xf32> to vector<256x768xbf16>
    %dot_general3A_145 = arith.constant dense<0.000000e+00> : vector<256x256xf32>
    %dot_general3A_146 = tpu.matmul %convert_element_type3A_144, %get3A_135, %dot_general3A_145 {dimension_numbers = #tpu.dot_dimension_numbers<[1], [0], [0], [1], [0, 0, 1, 1], [], []>, transpose_lhs_hint = false} : vector<256x768xbf16>, vector<768x256xbf16>, vector<256x256xf32> -> vector<256x256xf32>
    %add3A_147 = vector.broadcast %get3A_138 : vector<1x256xf32> to vector<256x256xf32>
    %add3A_148 = arith.addf %dot_general3A_146, %add3A_147 : vector<256x256xf32>
    %max3A_149 = arith.constant 0.000000e+00 : f32
    %max3A_150 = vector.broadcast %max3A_149 : f32 to vector<256x256xf32>
    %max3A_151 = arith.maximumf %add3A_148, %max3A_150 : vector<256x256xf32>
    %get3A_152 = arith.constant 0 : index
    %get3A_153 = arith.constant 0 : index
    %get3A_154 = vector.load %arg10[%get3A_152, %get3A_153] : memref<256x256xbf16, #tpu.memory_space<vmem>>, vector<256x256xbf16>
    %convert_element_type3A_155 = arith.truncf %max3A_151 : vector<256x256xf32> to vector<256x256xbf16>
    %dot_general3A_156 = arith.constant dense<0.000000e+00> : vector<256x256xf32>
    %dot_general3A_157 = tpu.matmul %convert_element_type3A_155, %get3A_154, %dot_general3A_156 {dimension_numbers = #tpu.dot_dimension_numbers<[1], [0], [0], [1], [0, 0, 1, 1], [], []>, transpose_lhs_hint = false} : vector<256x256xbf16>, vector<256x256xbf16>, vector<256x256xf32> -> vector<256x256xf32>
    %get3A_158 = arith.constant 0 : index
    %get3A_159 = arith.constant 0 : index
    %get3A_160 = vector.load %arg11[%get3A_158, %get3A_159] : memref<1x256xf32, #tpu.memory_space<vmem>>, vector<1x256xf32>
    %add3A_161 = vector.broadcast %get3A_160 : vector<1x256xf32> to vector<256x256xf32>
    %add3A_162 = arith.addf %dot_general3A_157, %add3A_161 : vector<256x256xf32>
    %swap3A = arith.constant 0 : index
    %swap3A_163 = arith.constant 0 : index
    %swap3A_164 = arith.constant 0 : index
    %swap3A_165 = vector.load %arg14[%swap3A, %swap3A_163, %swap3A_164] : memref<1x256x256xf32, #tpu.memory_space<vmem>>, vector<1x256x256xf32>
    %swap3A_166 = vector.shape_cast %swap3A_165 : vector<1x256x256xf32> to vector<256x256xf32>
    %swap3A_167 = vector.shape_cast %add3A_162 : vector<256x256xf32> to vector<1x256x256xf32>
    tpu.vector_store %arg14[%swap3A, %swap3A_163, %swap3A_164], %swap3A_167 {strides = array<i32>} : memref<1x256x256xf32, #tpu.memory_space<vmem>>, vector<1x256x256xf32>,
    %get3A_168 = arith.constant 0 : index
    %get3A_169 = arith.constant 0 : index
    %get3A_170 = vector.load %arg12[%get3A_168, %get3A_169] : memref<256x2048xbf16, #tpu.memory_space<vmem>>, vector<256x2048xbf16>
    %convert_element_type3A_171 = arith.truncf %add3A_162 : vector<256x256xf32> to vector<256x256xbf16>
    %dot_general3A_172 = arith.constant dense<0.000000e+00> : vector<256x2048xf32>
    %dot_general3A_173 = tpu.matmul %convert_element_type3A_171, %get3A_170, %dot_general3A_172 {dimension_numbers = #tpu.dot_dimension_numbers<[1], [0], [0], [1], [0, 0, 1, 1], [], []>, transpose_lhs_hint = false} : vector<256x256xbf16>, vector<256x2048xbf16>, vector<256x2048xf32> -> vector<256x2048xf32>
    %mul3A = arith.mulf %add3A_162, %add3A_162 : vector<256x256xf32>
    %reduce_sum3A = arith.constant dense<0.000000e+00> : vector<256xf32>
    %reduce_sum3A_174 = vector.multi_reduction <add>, %mul3A, %reduce_sum3A [1] : vector<256x256xf32> to vector<256xf32>
    %broadcast_in_dim3A_175 = vector.shape_cast %reduce_sum3A_174 : vector<256xf32> to vector<256x1xf32>
    %mul3A_176 = arith.constant 2.000000e+00 : f32
    %mul3A_177 = vector.broadcast %mul3A_176 : f32 to vector<256x2048xf32>
    %mul3A_178 = arith.mulf %mul3A_177, %dot_general3A_173 : vector<256x2048xf32>
    %sub3A = vector.broadcast %broadcast_in_dim3A_175 : vector<256x1xf32> to vector<256x2048xf32>
    %sub3A_179 = arith.subf %sub3A, %mul3A_178 : vector<256x2048xf32>
    %get3A_180 = arith.constant 0 : index
    %get3A_181 = arith.constant 0 : index
    %get3A_182 = vector.load %arg13[%get3A_180, %get3A_181] : memref<1x2048xf32, #tpu.memory_space<vmem>>, vector<1x2048xf32>
    %add3A_183 = vector.broadcast %get3A_182 : vector<1x2048xf32> to vector<256x2048xf32>
    %add3A_184 = arith.addf %sub3A_179, %add3A_183 : vector<256x2048xf32>
    %max3A_185 = arith.constant 0.000000e+00 : f32
    %max3A_186 = vector.broadcast %max3A_185 : f32 to vector<256x2048xf32>
    %max3A_187 = arith.maximumf %add3A_184, %max3A_186 : vector<256x2048xf32>
    %sqrt3A = math.sqrt %max3A_187 : vector<256x2048xf32>
    %reduce_min3A = arith.constant dense<0x7F800000> : vector<256xf32>
    %reduce_min3A_188 = vector.multi_reduction <minimumf>, %sqrt3A, %reduce_min3A [1] : vector<256x2048xf32> to vector<256xf32>
    %broadcast_in_dim3A_189 = vector.shape_cast %reduce_min3A_188 : vector<256xf32> to vector<256x1xf32>
    %iota3A = tpu.iota {dimensions = array<i32: 1>} : vector<256x2048xi32>
    %eq3A = vector.broadcast %broadcast_in_dim3A_189 : vector<256x1xf32> to vector<256x2048xf32>
    %eq3A_190 = arith.cmpf oeq, %sqrt3A, %eq3A : vector<256x2048xf32>
    %jit3A = arith.constant 2048 : i32
    %broadcast_in_dim3A_191 = vector.broadcast %jit3A : i32 to vector<256x2048xi32>
    %select_n3A = arith.select %eq3A_190, %iota3A, %broadcast_in_dim3A_191 : vector<256x2048xi1>, vector<256x2048xi32>
    %reduce_min3A_192 = arith.constant dense<2147483647> : vector<256xi32>
    %reduce_min3A_193 = vector.multi_reduction <minsi>, %select_n3A, %reduce_min3A_192 [1] : vector<256x2048xi32> to vector<256xi32>
    %swap3A_194 = arith.constant 0 : index
    %swap3A_195 = arith.constant 0 : index
    %swap3A_196 = arith.constant 0 : index
    %swap3A_197 = vector.load %arg15[%swap3A_194, %swap3A_195, %swap3A_196] : memref<1x1x256xi32, #tpu.memory_space<vmem>>, vector<1x1x256xi32>
    %swap3A_198 = vector.shape_cast %swap3A_197 : vector<1x1x256xi32> to vector<256xi32>
    %swap3A_199 = vector.shape_cast %reduce_min3A_193 : vector<256xi32> to vector<1x1x256xi32>
    tpu.vector_store %arg15[%swap3A_194, %swap3A_195, %swap3A_196], %swap3A_199 {strides = array<i32>} : memref<1x1x256xi32, #tpu.memory_space<vmem>>, vector<1x1x256xi32>,
    return
  }
  func.func @transform_0(%arg0: i32) -> (i32, i32, i32, i32) {
    %c0_i32 = arith.constant 0 : i32
    %c0_i32_0 = arith.constant 0 : i32
    %c0_i32_1 = arith.constant 0 : i32
    %c0_i32_2 = arith.constant 0 : i32
    return %arg0, %c0_i32, %c0_i32_0, %c0_i32_1 : i32, i32, i32, i32
  }
  func.func @transform_1(%arg0: i32) -> (i32, i32) {
    %c0_i32 = arith.constant 0 : i32
    %c0_i32_0 = arith.constant 0 : i32
    %c0_i32_1 = arith.constant 0 : i32
    return %c0_i32, %c0_i32_0 : i32, i32
  }
  func.func @transform_2(%arg0: i32) -> (i32, i32) {
    %c0_i32 = arith.constant 0 : i32
    %c0_i32_0 = arith.constant 0 : i32
    %c0_i32_1 = arith.constant 0 : i32
    return %c0_i32, %c0_i32_0 : i32, i32
  }
  func.func @transform_3(%arg0: i32) -> (i32, i32) {
    %c0_i32 = arith.constant 0 : i32
    %c0_i32_0 = arith.constant 0 : i32
    %c0_i32_1 = arith.constant 0 : i32
    return %c0_i32, %c0_i32_0 : i32, i32
  }
  func.func @transform_4(%arg0: i32) -> (i32, i32) {
    %c0_i32 = arith.constant 0 : i32
    %c0_i32_0 = arith.constant 0 : i32
    %c0_i32_1 = arith.constant 0 : i32
    return %c0_i32, %c0_i32_0 : i32, i32
  }
  func.func @transform_5(%arg0: i32) -> (i32, i32) {
    %c0_i32 = arith.constant 0 : i32
    %c0_i32_0 = arith.constant 0 : i32
    %c0_i32_1 = arith.constant 0 : i32
    return %c0_i32, %c0_i32_0 : i32, i32
  }
  func.func @transform_6(%arg0: i32) -> (i32, i32) {
    %c0_i32 = arith.constant 0 : i32
    %c0_i32_0 = arith.constant 0 : i32
    %c0_i32_1 = arith.constant 0 : i32
    return %c0_i32, %c0_i32_0 : i32, i32
  }
  func.func @transform_7(%arg0: i32) -> (i32, i32) {
    %c0_i32 = arith.constant 0 : i32
    %c0_i32_0 = arith.constant 0 : i32
    %c0_i32_1 = arith.constant 0 : i32
    return %c0_i32, %c0_i32_0 : i32, i32
  }
  func.func @transform_8(%arg0: i32) -> (i32, i32) {
    %c0_i32 = arith.constant 0 : i32
    %c0_i32_0 = arith.constant 0 : i32
    %c0_i32_1 = arith.constant 0 : i32
    return %c0_i32, %c0_i32_0 : i32, i32
  }
  func.func @transform_9(%arg0: i32) -> (i32, i32) {
    %c0_i32 = arith.constant 0 : i32
    %c0_i32_0 = arith.constant 0 : i32
    %c0_i32_1 = arith.constant 0 : i32
    return %c0_i32, %c0_i32_0 : i32, i32
  }
  func.func @transform_10(%arg0: i32) -> (i32, i32) {
    %c0_i32 = arith.constant 0 : i32
    %c0_i32_0 = arith.constant 0 : i32
    %c0_i32_1 = arith.constant 0 : i32
    return %c0_i32, %c0_i32_0 : i32, i32
  }
  func.func @transform_11(%arg0: i32) -> (i32, i32) {
    %c0_i32 = arith.constant 0 : i32
    %c0_i32_0 = arith.constant 0 : i32
    %c0_i32_1 = arith.constant 0 : i32
    return %c0_i32, %c0_i32_0 : i32, i32
  }
  func.func @transform_12(%arg0: i32) -> (i32, i32) {
    %c0_i32 = arith.constant 0 : i32
    %c0_i32_0 = arith.constant 0 : i32
    %c0_i32_1 = arith.constant 0 : i32
    return %c0_i32, %c0_i32_0 : i32, i32
  }
  func.func @transform_13(%arg0: i32) -> (i32, i32, i32) {
    %c0_i32 = arith.constant 0 : i32
    %c0_i32_0 = arith.constant 0 : i32
    %c0_i32_1 = arith.constant 0 : i32
    return %arg0, %c0_i32, %c0_i32_0 : i32, i32, i32
  }
  func.func @transform_14(%arg0: i32) -> (i32, i32, i32) {
    %c0_i32 = arith.constant 0 : i32
    %c0_i32_0 = arith.constant 0 : i32
    %c0_i32_1 = arith.constant 0 : i32
    return %arg0, %c0_i32, %c0_i32_0 : i32, i32, i32
  }
}

module attributes {stable_mosaic.version = 14 : i64} {
  func.func @_decoder_body(%arg0: i32, %arg1: memref<1x256x256xf32, #tpu.memory_space<vmem>>, %arg2: memref<256x256xbf16, #tpu.memory_space<vmem>>, %arg3: memref<512x256xbf16, #tpu.memory_space<vmem>>, %arg4: memref<1x256xf32, #tpu.memory_space<vmem>>, %arg5: memref<256x256xbf16, #tpu.memory_space<vmem>>, %arg6: memref<512x256xbf16, #tpu.memory_space<vmem>>, %arg7: memref<1x256xf32, #tpu.memory_space<vmem>>, %arg8: memref<256x256xbf16, #tpu.memory_space<vmem>>, %arg9: memref<512x256xbf16, #tpu.memory_space<vmem>>, %arg10: memref<1x256xf32, #tpu.memory_space<vmem>>, %arg11: memref<256x20xbf16, #tpu.memory_space<vmem>>, %arg12: memref<1x20xf32, #tpu.memory_space<vmem>>, %arg13: memref<1x8x256x20xf32, #tpu.memory_space<vmem>>) attributes {dimension_semantics = [#tpu.dimension_semantics<arbitrary>], iteration_bounds = array<i64: 16>, scalar_prefetch = 0 : i64, scratch_operands = 0 : i64, tpu.core_type = #tpu.core_type<tc>, window_params = [{transform_indices = @transform_0, window_bounds = array<i64: 1, 256, 256>}, {pipeline_mode = #tpu.pipeline_mode<synchronous>, transform_indices = @transform_1, window_bounds = array<i64: 256, 256>}, {pipeline_mode = #tpu.pipeline_mode<synchronous>, transform_indices = @transform_2, window_bounds = array<i64: 512, 256>}, {pipeline_mode = #tpu.pipeline_mode<synchronous>, transform_indices = @transform_3, window_bounds = array<i64: 1, 256>}, {pipeline_mode = #tpu.pipeline_mode<synchronous>, transform_indices = @transform_4, window_bounds = array<i64: 256, 256>}, {pipeline_mode = #tpu.pipeline_mode<synchronous>, transform_indices = @transform_5, window_bounds = array<i64: 512, 256>}, {pipeline_mode = #tpu.pipeline_mode<synchronous>, transform_indices = @transform_6, window_bounds = array<i64: 1, 256>}, {pipeline_mode = #tpu.pipeline_mode<synchronous>, transform_indices = @transform_7, window_bounds = array<i64: 256, 256>}, {pipeline_mode = #tpu.pipeline_mode<synchronous>, transform_indices = @transform_8, window_bounds = array<i64: 512, 256>}, {pipeline_mode = #tpu.pipeline_mode<synchronous>, transform_indices = @transform_9, window_bounds = array<i64: 1, 256>}, {pipeline_mode = #tpu.pipeline_mode<synchronous>, transform_indices = @transform_10, window_bounds = array<i64: 256, 20>}, {pipeline_mode = #tpu.pipeline_mode<synchronous>, transform_indices = @transform_11, window_bounds = array<i64: 1, 20>}, {transform_indices = @transform_12, window_bounds = array<i64: 1, 8, 256, 20>}]} {
    %get3A = arith.constant 0 : index
    %get3A_0 = arith.constant 0 : index
    %get3A_1 = arith.constant 0 : index
    %get3A_2 = vector.load %arg1[%get3A, %get3A_0, %get3A_1] : memref<1x256x256xf32, #tpu.memory_space<vmem>>, vector<1x256x256xf32>
    %get3A_3 = vector.shape_cast %get3A_2 : vector<1x256x256xf32> to vector<256x256xf32>
    %get3A_4 = arith.constant 0 : index
    %get3A_5 = arith.constant 0 : index
    %get3A_6 = vector.load %arg2[%get3A_4, %get3A_5] : memref<256x256xbf16, #tpu.memory_space<vmem>>, vector<256x256xbf16>
    %get3A_7 = arith.constant 0 : index
    %get3A_8 = arith.constant 0 : index
    %get3A_9 = vector.load %arg3[%get3A_7, %get3A_8] : memref<512x256xbf16, #tpu.memory_space<vmem>>, vector<512x256xbf16>
    %get3A_10 = arith.constant 0 : index
    %get3A_11 = arith.constant 0 : index
    %get3A_12 = vector.load %arg4[%get3A_10, %get3A_11] : memref<1x256xf32, #tpu.memory_space<vmem>>, vector<1x256xf32>
    %convert_element_type3A = arith.truncf %get3A_3 : vector<256x256xf32> to vector<256x256xbf16>
    %dot_general3A = arith.constant dense<0.000000e+00> : vector<256x256xf32>
    %dot_general3A_13 = tpu.matmul %convert_element_type3A, %get3A_6, %dot_general3A {dimension_numbers = #tpu.dot_dimension_numbers<[1], [0], [0], [1], [0, 0, 1, 1], [], []>, transpose_lhs_hint = false} : vector<256x256xbf16>, vector<256x256xbf16>, vector<256x256xf32> -> vector<256x256xf32>
    %add3A = vector.broadcast %get3A_12 : vector<1x256xf32> to vector<256x256xf32>
    %add3A_14 = arith.addf %dot_general3A_13, %add3A : vector<256x256xf32>
    %max3A = arith.constant 0.000000e+00 : f32
    %max3A_15 = vector.broadcast %max3A : f32 to vector<256x256xf32>
    %max3A_16 = arith.maximumf %add3A_14, %max3A_15 : vector<256x256xf32>
    %slice3A = vector.extract_strided_slice %get3A_3 {offsets = [1, 0], sizes = [255, 256], strides = [1, 1]} : vector<256x256xf32> to vector<255x256xf32>
    %broadcast_in_dim3A = arith.constant 0.000000e+00 : f32
    %broadcast_in_dim3A_17 = vector.broadcast %broadcast_in_dim3A : f32 to vector<1x256xf32>
    %concatenate3A = tpu.concatenate %slice3A, %broadcast_in_dim3A_17 in 0 : vector<255x256xf32>, vector<1x256xf32> -> vector<256x256xf32>
    %concatenate3A_18 = tpu.concatenate %get3A_3, %concatenate3A in 1 : vector<256x256xf32>, vector<256x256xf32> -> vector<256x512xf32>
    %convert_element_type3A_19 = arith.truncf %concatenate3A_18 : vector<256x512xf32> to vector<256x512xbf16>
    %dot_general3A_20 = arith.constant dense<0.000000e+00> : vector<256x256xf32>
    %dot_general3A_21 = tpu.matmul %convert_element_type3A_19, %get3A_9, %dot_general3A_20 {dimension_numbers = #tpu.dot_dimension_numbers<[1], [0], [0], [1], [0, 0, 1, 1], [], []>, transpose_lhs_hint = false} : vector<256x512xbf16>, vector<512x256xbf16>, vector<256x256xf32> -> vector<256x256xf32>
    %add3A_22 = vector.broadcast %get3A_12 : vector<1x256xf32> to vector<256x256xf32>
    %add3A_23 = arith.addf %dot_general3A_21, %add3A_22 : vector<256x256xf32>
    %max3A_24 = arith.constant 0.000000e+00 : f32
    %max3A_25 = vector.broadcast %max3A_24 : f32 to vector<256x256xf32>
    %max3A_26 = arith.maximumf %add3A_23, %max3A_25 : vector<256x256xf32>
    %get3A_27 = arith.constant 0 : index
    %get3A_28 = arith.constant 0 : index
    %get3A_29 = vector.load %arg5[%get3A_27, %get3A_28] : memref<256x256xbf16, #tpu.memory_space<vmem>>, vector<256x256xbf16>
    %get3A_30 = arith.constant 0 : index
    %get3A_31 = arith.constant 0 : index
    %get3A_32 = vector.load %arg6[%get3A_30, %get3A_31] : memref<512x256xbf16, #tpu.memory_space<vmem>>, vector<512x256xbf16>
    %get3A_33 = arith.constant 0 : index
    %get3A_34 = arith.constant 0 : index
    %get3A_35 = vector.load %arg7[%get3A_33, %get3A_34] : memref<1x256xf32, #tpu.memory_space<vmem>>, vector<1x256xf32>
    %convert_element_type3A_36 = arith.truncf %max3A_16 : vector<256x256xf32> to vector<256x256xbf16>
    %dot_general3A_37 = arith.constant dense<0.000000e+00> : vector<256x256xf32>
    %dot_general3A_38 = tpu.matmul %convert_element_type3A_36, %get3A_29, %dot_general3A_37 {dimension_numbers = #tpu.dot_dimension_numbers<[1], [0], [0], [1], [0, 0, 1, 1], [], []>, transpose_lhs_hint = false} : vector<256x256xbf16>, vector<256x256xbf16>, vector<256x256xf32> -> vector<256x256xf32>
    %add3A_39 = vector.broadcast %get3A_35 : vector<1x256xf32> to vector<256x256xf32>
    %add3A_40 = arith.addf %dot_general3A_38, %add3A_39 : vector<256x256xf32>
    %max3A_41 = arith.constant 0.000000e+00 : f32
    %max3A_42 = vector.broadcast %max3A_41 : f32 to vector<256x256xf32>
    %max3A_43 = arith.maximumf %add3A_40, %max3A_42 : vector<256x256xf32>
    %concatenate3A_44 = tpu.concatenate %max3A_16, %max3A_26 in 1 : vector<256x256xf32>, vector<256x256xf32> -> vector<256x512xf32>
    %convert_element_type3A_45 = arith.truncf %concatenate3A_44 : vector<256x512xf32> to vector<256x512xbf16>
    %dot_general3A_46 = arith.constant dense<0.000000e+00> : vector<256x256xf32>
    %dot_general3A_47 = tpu.matmul %convert_element_type3A_45, %get3A_32, %dot_general3A_46 {dimension_numbers = #tpu.dot_dimension_numbers<[1], [0], [0], [1], [0, 0, 1, 1], [], []>, transpose_lhs_hint = false} : vector<256x512xbf16>, vector<512x256xbf16>, vector<256x256xf32> -> vector<256x256xf32>
    %add3A_48 = vector.broadcast %get3A_35 : vector<1x256xf32> to vector<256x256xf32>
    %add3A_49 = arith.addf %dot_general3A_47, %add3A_48 : vector<256x256xf32>
    %max3A_50 = arith.constant 0.000000e+00 : f32
    %max3A_51 = vector.broadcast %max3A_50 : f32 to vector<256x256xf32>
    %max3A_52 = arith.maximumf %add3A_49, %max3A_51 : vector<256x256xf32>
    %convert_element_type3A_53 = arith.truncf %max3A_26 : vector<256x256xf32> to vector<256x256xbf16>
    %dot_general3A_54 = arith.constant dense<0.000000e+00> : vector<256x256xf32>
    %dot_general3A_55 = tpu.matmul %convert_element_type3A_53, %get3A_29, %dot_general3A_54 {dimension_numbers = #tpu.dot_dimension_numbers<[1], [0], [0], [1], [0, 0, 1, 1], [], []>, transpose_lhs_hint = false} : vector<256x256xbf16>, vector<256x256xbf16>, vector<256x256xf32> -> vector<256x256xf32>
    %add3A_56 = vector.broadcast %get3A_35 : vector<1x256xf32> to vector<256x256xf32>
    %add3A_57 = arith.addf %dot_general3A_55, %add3A_56 : vector<256x256xf32>
    %max3A_58 = arith.constant 0.000000e+00 : f32
    %max3A_59 = vector.broadcast %max3A_58 : f32 to vector<256x256xf32>
    %max3A_60 = arith.maximumf %add3A_57, %max3A_59 : vector<256x256xf32>
    %slice3A_61 = vector.extract_strided_slice %max3A_16 {offsets = [1, 0], sizes = [255, 256], strides = [1, 1]} : vector<256x256xf32> to vector<255x256xf32>
    %broadcast_in_dim3A_62 = arith.constant 0.000000e+00 : f32
    %broadcast_in_dim3A_63 = vector.broadcast %broadcast_in_dim3A_62 : f32 to vector<1x256xf32>
    %concatenate3A_64 = tpu.concatenate %slice3A_61, %broadcast_in_dim3A_63 in 0 : vector<255x256xf32>, vector<1x256xf32> -> vector<256x256xf32>
    %concatenate3A_65 = tpu.concatenate %max3A_26, %concatenate3A_64 in 1 : vector<256x256xf32>, vector<256x256xf32> -> vector<256x512xf32>
    %convert_element_type3A_66 = arith.truncf %concatenate3A_65 : vector<256x512xf32> to vector<256x512xbf16>
    %dot_general3A_67 = arith.constant dense<0.000000e+00> : vector<256x256xf32>
    %dot_general3A_68 = tpu.matmul %convert_element_type3A_66, %get3A_32, %dot_general3A_67 {dimension_numbers = #tpu.dot_dimension_numbers<[1], [0], [0], [1], [0, 0, 1, 1], [], []>, transpose_lhs_hint = false} : vector<256x512xbf16>, vector<512x256xbf16>, vector<256x256xf32> -> vector<256x256xf32>
    %add3A_69 = vector.broadcast %get3A_35 : vector<1x256xf32> to vector<256x256xf32>
    %add3A_70 = arith.addf %dot_general3A_68, %add3A_69 : vector<256x256xf32>
    %max3A_71 = arith.constant 0.000000e+00 : f32
    %max3A_72 = vector.broadcast %max3A_71 : f32 to vector<256x256xf32>
    %max3A_73 = arith.maximumf %add3A_70, %max3A_72 : vector<256x256xf32>
    %get3A_74 = arith.constant 0 : index
    %get3A_75 = arith.constant 0 : index
    %get3A_76 = vector.load %arg8[%get3A_74, %get3A_75] : memref<256x256xbf16, #tpu.memory_space<vmem>>, vector<256x256xbf16>
    %get3A_77 = arith.constant 0 : index
    %get3A_78 = arith.constant 0 : index
    %get3A_79 = vector.load %arg9[%get3A_77, %get3A_78] : memref<512x256xbf16, #tpu.memory_space<vmem>>, vector<512x256xbf16>
    %get3A_80 = arith.constant 0 : index
    %get3A_81 = arith.constant 0 : index
    %get3A_82 = vector.load %arg10[%get3A_80, %get3A_81] : memref<1x256xf32, #tpu.memory_space<vmem>>, vector<1x256xf32>
    %convert_element_type3A_83 = arith.truncf %max3A_43 : vector<256x256xf32> to vector<256x256xbf16>
    %dot_general3A_84 = arith.constant dense<0.000000e+00> : vector<256x256xf32>
    %dot_general3A_85 = tpu.matmul %convert_element_type3A_83, %get3A_76, %dot_general3A_84 {dimension_numbers = #tpu.dot_dimension_numbers<[1], [0], [0], [1], [0, 0, 1, 1], [], []>, transpose_lhs_hint = false} : vector<256x256xbf16>, vector<256x256xbf16>, vector<256x256xf32> -> vector<256x256xf32>
    %add3A_86 = vector.broadcast %get3A_82 : vector<1x256xf32> to vector<256x256xf32>
    %add3A_87 = arith.addf %dot_general3A_85, %add3A_86 : vector<256x256xf32>
    %max3A_88 = arith.constant 0.000000e+00 : f32
    %max3A_89 = vector.broadcast %max3A_88 : f32 to vector<256x256xf32>
    %max3A_90 = arith.maximumf %add3A_87, %max3A_89 : vector<256x256xf32>
    %concatenate3A_91 = tpu.concatenate %max3A_43, %max3A_52 in 1 : vector<256x256xf32>, vector<256x256xf32> -> vector<256x512xf32>
    %convert_element_type3A_92 = arith.truncf %concatenate3A_91 : vector<256x512xf32> to vector<256x512xbf16>
    %dot_general3A_93 = arith.constant dense<0.000000e+00> : vector<256x256xf32>
    %dot_general3A_94 = tpu.matmul %convert_element_type3A_92, %get3A_79, %dot_general3A_93 {dimension_numbers = #tpu.dot_dimension_numbers<[1], [0], [0], [1], [0, 0, 1, 1], [], []>, transpose_lhs_hint = false} : vector<256x512xbf16>, vector<512x256xbf16>, vector<256x256xf32> -> vector<256x256xf32>
    %add3A_95 = vector.broadcast %get3A_82 : vector<1x256xf32> to vector<256x256xf32>
    %add3A_96 = arith.addf %dot_general3A_94, %add3A_95 : vector<256x256xf32>
    %max3A_97 = arith.constant 0.000000e+00 : f32
    %max3A_98 = vector.broadcast %max3A_97 : f32 to vector<256x256xf32>
    %max3A_99 = arith.maximumf %add3A_96, %max3A_98 : vector<256x256xf32>
    %convert_element_type3A_100 = arith.truncf %max3A_52 : vector<256x256xf32> to vector<256x256xbf16>
    %dot_general3A_101 = arith.constant dense<0.000000e+00> : vector<256x256xf32>
    %dot_general3A_102 = tpu.matmul %convert_element_type3A_100, %get3A_76, %dot_general3A_101 {dimension_numbers = #tpu.dot_dimension_numbers<[1], [0], [0], [1], [0, 0, 1, 1], [], []>, transpose_lhs_hint = false} : vector<256x256xbf16>, vector<256x256xbf16>, vector<256x256xf32> -> vector<256x256xf32>
    %add3A_103 = vector.broadcast %get3A_82 : vector<1x256xf32> to vector<256x256xf32>
    %add3A_104 = arith.addf %dot_general3A_102, %add3A_103 : vector<256x256xf32>
    %max3A_105 = arith.constant 0.000000e+00 : f32
    %max3A_106 = vector.broadcast %max3A_105 : f32 to vector<256x256xf32>
    %max3A_107 = arith.maximumf %add3A_104, %max3A_106 : vector<256x256xf32>
    %concatenate3A_108 = tpu.concatenate %max3A_52, %max3A_60 in 1 : vector<256x256xf32>, vector<256x256xf32> -> vector<256x512xf32>
    %convert_element_type3A_109 = arith.truncf %concatenate3A_108 : vector<256x512xf32> to vector<256x512xbf16>
    %dot_general3A_110 = arith.constant dense<0.000000e+00> : vector<256x256xf32>
    %dot_general3A_111 = tpu.matmul %convert_element_type3A_109, %get3A_79, %dot_general3A_110 {dimension_numbers = #tpu.dot_dimension_numbers<[1], [0], [0], [1], [0, 0, 1, 1], [], []>, transpose_lhs_hint = false} : vector<256x512xbf16>, vector<512x256xbf16>, vector<256x256xf32> -> vector<256x256xf32>
    %add3A_112 = vector.broadcast %get3A_82 : vector<1x256xf32> to vector<256x256xf32>
    %add3A_113 = arith.addf %dot_general3A_111, %add3A_112 : vector<256x256xf32>
    %max3A_114 = arith.constant 0.000000e+00 : f32
    %max3A_115 = vector.broadcast %max3A_114 : f32 to vector<256x256xf32>
    %max3A_116 = arith.maximumf %add3A_113, %max3A_115 : vector<256x256xf32>
    %convert_element_type3A_117 = arith.truncf %max3A_60 : vector<256x256xf32> to vector<256x256xbf16>
    %dot_general3A_118 = arith.constant dense<0.000000e+00> : vector<256x256xf32>
    %dot_general3A_119 = tpu.matmul %convert_element_type3A_117, %get3A_76, %dot_general3A_118 {dimension_numbers = #tpu.dot_dimension_numbers<[1], [0], [0], [1], [0, 0, 1, 1], [], []>, transpose_lhs_hint = false} : vector<256x256xbf16>, vector<256x256xbf16>, vector<256x256xf32> -> vector<256x256xf32>
    %add3A_120 = vector.broadcast %get3A_82 : vector<1x256xf32> to vector<256x256xf32>
    %add3A_121 = arith.addf %dot_general3A_119, %add3A_120 : vector<256x256xf32>
    %max3A_122 = arith.constant 0.000000e+00 : f32
    %max3A_123 = vector.broadcast %max3A_122 : f32 to vector<256x256xf32>
    %max3A_124 = arith.maximumf %add3A_121, %max3A_123 : vector<256x256xf32>
    %concatenate3A_125 = tpu.concatenate %max3A_60, %max3A_73 in 1 : vector<256x256xf32>, vector<256x256xf32> -> vector<256x512xf32>
    %convert_element_type3A_126 = arith.truncf %concatenate3A_125 : vector<256x512xf32> to vector<256x512xbf16>
    %dot_general3A_127 = arith.constant dense<0.000000e+00> : vector<256x256xf32>
    %dot_general3A_128 = tpu.matmul %convert_element_type3A_126, %get3A_79, %dot_general3A_127 {dimension_numbers = #tpu.dot_dimension_numbers<[1], [0], [0], [1], [0, 0, 1, 1], [], []>, transpose_lhs_hint = false} : vector<256x512xbf16>, vector<512x256xbf16>, vector<256x256xf32> -> vector<256x256xf32>
    %add3A_129 = vector.broadcast %get3A_82 : vector<1x256xf32> to vector<256x256xf32>
    %add3A_130 = arith.addf %dot_general3A_128, %add3A_129 : vector<256x256xf32>
    %max3A_131 = arith.constant 0.000000e+00 : f32
    %max3A_132 = vector.broadcast %max3A_131 : f32 to vector<256x256xf32>
    %max3A_133 = arith.maximumf %add3A_130, %max3A_132 : vector<256x256xf32>
    %convert_element_type3A_134 = arith.truncf %max3A_73 : vector<256x256xf32> to vector<256x256xbf16>
    %dot_general3A_135 = arith.constant dense<0.000000e+00> : vector<256x256xf32>
    %dot_general3A_136 = tpu.matmul %convert_element_type3A_134, %get3A_76, %dot_general3A_135 {dimension_numbers = #tpu.dot_dimension_numbers<[1], [0], [0], [1], [0, 0, 1, 1], [], []>, transpose_lhs_hint = false} : vector<256x256xbf16>, vector<256x256xbf16>, vector<256x256xf32> -> vector<256x256xf32>
    %add3A_137 = vector.broadcast %get3A_82 : vector<1x256xf32> to vector<256x256xf32>
    %add3A_138 = arith.addf %dot_general3A_136, %add3A_137 : vector<256x256xf32>
    %max3A_139 = arith.constant 0.000000e+00 : f32
    %max3A_140 = vector.broadcast %max3A_139 : f32 to vector<256x256xf32>
    %max3A_141 = arith.maximumf %add3A_138, %max3A_140 : vector<256x256xf32>
    %slice3A_142 = vector.extract_strided_slice %max3A_43 {offsets = [1, 0], sizes = [255, 256], strides = [1, 1]} : vector<256x256xf32> to vector<255x256xf32>
    %broadcast_in_dim3A_143 = arith.constant 0.000000e+00 : f32
    %broadcast_in_dim3A_144 = vector.broadcast %broadcast_in_dim3A_143 : f32 to vector<1x256xf32>
    %concatenate3A_145 = tpu.concatenate %slice3A_142, %broadcast_in_dim3A_144 in 0 : vector<255x256xf32>, vector<1x256xf32> -> vector<256x256xf32>
    %concatenate3A_146 = tpu.concatenate %max3A_73, %concatenate3A_145 in 1 : vector<256x256xf32>, vector<256x256xf32> -> vector<256x512xf32>
    %convert_element_type3A_147 = arith.truncf %concatenate3A_146 : vector<256x512xf32> to vector<256x512xbf16>
    %dot_general3A_148 = arith.constant dense<0.000000e+00> : vector<256x256xf32>
    %dot_general3A_149 = tpu.matmul %convert_element_type3A_147, %get3A_79, %dot_general3A_148 {dimension_numbers = #tpu.dot_dimension_numbers<[1], [0], [0], [1], [0, 0, 1, 1], [], []>, transpose_lhs_hint = false} : vector<256x512xbf16>, vector<512x256xbf16>, vector<256x256xf32> -> vector<256x256xf32>
    %add3A_150 = vector.broadcast %get3A_82 : vector<1x256xf32> to vector<256x256xf32>
    %add3A_151 = arith.addf %dot_general3A_149, %add3A_150 : vector<256x256xf32>
    %max3A_152 = arith.constant 0.000000e+00 : f32
    %max3A_153 = vector.broadcast %max3A_152 : f32 to vector<256x256xf32>
    %max3A_154 = arith.maximumf %add3A_151, %max3A_153 : vector<256x256xf32>
    %get3A_155 = arith.constant 0 : index
    %get3A_156 = arith.constant 0 : index
    %get3A_157 = vector.load %arg11[%get3A_155, %get3A_156] : memref<256x20xbf16, #tpu.memory_space<vmem>>, vector<256x20xbf16>
    %get3A_158 = arith.constant 0 : index
    %get3A_159 = arith.constant 0 : index
    %get3A_160 = vector.load %arg12[%get3A_158, %get3A_159] : memref<1x20xf32, #tpu.memory_space<vmem>>, vector<1x20xf32>
    %convert_element_type3A_161 = arith.truncf %max3A_90 : vector<256x256xf32> to vector<256x256xbf16>
    %dot_general3A_162 = arith.constant dense<0.000000e+00> : vector<256x20xf32>
    %dot_general3A_163 = tpu.matmul %convert_element_type3A_161, %get3A_157, %dot_general3A_162 {dimension_numbers = #tpu.dot_dimension_numbers<[1], [0], [0], [1], [0, 0, 1, 1], [], []>, transpose_lhs_hint = false} : vector<256x256xbf16>, vector<256x20xbf16>, vector<256x20xf32> -> vector<256x20xf32>
    %add3A_164 = vector.broadcast %get3A_160 : vector<1x20xf32> to vector<256x20xf32>
    %add3A_165 = arith.addf %dot_general3A_163, %add3A_164 : vector<256x20xf32>
    %swap3A = arith.constant 0 : index
    %swap3A_166 = arith.constant 0 : index
    %swap3A_167 = arith.constant 0 : index
    %swap3A_168 = arith.constant 0 : index
    %swap3A_169 = vector.load %arg13[%swap3A, %swap3A_166, %swap3A_167, %swap3A_168] : memref<1x8x256x20xf32, #tpu.memory_space<vmem>>, vector<1x1x256x20xf32>
    %swap3A_170 = vector.shape_cast %swap3A_169 : vector<1x1x256x20xf32> to vector<256x20xf32>
    %swap3A_171 = vector.shape_cast %add3A_165 : vector<256x20xf32> to vector<1x1x256x20xf32>
    tpu.vector_store %arg13[%swap3A, %swap3A_166, %swap3A_167, %swap3A_168], %swap3A_171 {strides = array<i32>} : memref<1x8x256x20xf32, #tpu.memory_space<vmem>>, vector<1x1x256x20xf32>,
    %convert_element_type3A_172 = arith.truncf %max3A_99 : vector<256x256xf32> to vector<256x256xbf16>
    %dot_general3A_173 = arith.constant dense<0.000000e+00> : vector<256x20xf32>
    %dot_general3A_174 = tpu.matmul %convert_element_type3A_172, %get3A_157, %dot_general3A_173 {dimension_numbers = #tpu.dot_dimension_numbers<[1], [0], [0], [1], [0, 0, 1, 1], [], []>, transpose_lhs_hint = false} : vector<256x256xbf16>, vector<256x20xbf16>, vector<256x20xf32> -> vector<256x20xf32>
    %add3A_175 = vector.broadcast %get3A_160 : vector<1x20xf32> to vector<256x20xf32>
    %add3A_176 = arith.addf %dot_general3A_174, %add3A_175 : vector<256x20xf32>
    %swap3A_177 = arith.constant 0 : index
    %swap3A_178 = arith.constant 1 : index
    %swap3A_179 = arith.constant 0 : index
    %swap3A_180 = arith.constant 0 : index
    %swap3A_181 = vector.load %arg13[%swap3A_177, %swap3A_178, %swap3A_179, %swap3A_180] : memref<1x8x256x20xf32, #tpu.memory_space<vmem>>, vector<1x1x256x20xf32>
    %swap3A_182 = vector.shape_cast %swap3A_181 : vector<1x1x256x20xf32> to vector<256x20xf32>
    %swap3A_183 = vector.shape_cast %add3A_176 : vector<256x20xf32> to vector<1x1x256x20xf32>
    tpu.vector_store %arg13[%swap3A_177, %swap3A_178, %swap3A_179, %swap3A_180], %swap3A_183 {strides = array<i32>} : memref<1x8x256x20xf32, #tpu.memory_space<vmem>>, vector<1x1x256x20xf32>,
    %convert_element_type3A_184 = arith.truncf %max3A_107 : vector<256x256xf32> to vector<256x256xbf16>
    %dot_general3A_185 = arith.constant dense<0.000000e+00> : vector<256x20xf32>
    %dot_general3A_186 = tpu.matmul %convert_element_type3A_184, %get3A_157, %dot_general3A_185 {dimension_numbers = #tpu.dot_dimension_numbers<[1], [0], [0], [1], [0, 0, 1, 1], [], []>, transpose_lhs_hint = false} : vector<256x256xbf16>, vector<256x20xbf16>, vector<256x20xf32> -> vector<256x20xf32>
    %add3A_187 = vector.broadcast %get3A_160 : vector<1x20xf32> to vector<256x20xf32>
    %add3A_188 = arith.addf %dot_general3A_186, %add3A_187 : vector<256x20xf32>
    %swap3A_189 = arith.constant 0 : index
    %swap3A_190 = arith.constant 2 : index
    %swap3A_191 = arith.constant 0 : index
    %swap3A_192 = arith.constant 0 : index
    %swap3A_193 = vector.load %arg13[%swap3A_189, %swap3A_190, %swap3A_191, %swap3A_192] : memref<1x8x256x20xf32, #tpu.memory_space<vmem>>, vector<1x1x256x20xf32>
    %swap3A_194 = vector.shape_cast %swap3A_193 : vector<1x1x256x20xf32> to vector<256x20xf32>
    %swap3A_195 = vector.shape_cast %add3A_188 : vector<256x20xf32> to vector<1x1x256x20xf32>
    tpu.vector_store %arg13[%swap3A_189, %swap3A_190, %swap3A_191, %swap3A_192], %swap3A_195 {strides = array<i32>} : memref<1x8x256x20xf32, #tpu.memory_space<vmem>>, vector<1x1x256x20xf32>,
    %convert_element_type3A_196 = arith.truncf %max3A_116 : vector<256x256xf32> to vector<256x256xbf16>
    %dot_general3A_197 = arith.constant dense<0.000000e+00> : vector<256x20xf32>
    %dot_general3A_198 = tpu.matmul %convert_element_type3A_196, %get3A_157, %dot_general3A_197 {dimension_numbers = #tpu.dot_dimension_numbers<[1], [0], [0], [1], [0, 0, 1, 1], [], []>, transpose_lhs_hint = false} : vector<256x256xbf16>, vector<256x20xbf16>, vector<256x20xf32> -> vector<256x20xf32>
    %add3A_199 = vector.broadcast %get3A_160 : vector<1x20xf32> to vector<256x20xf32>
    %add3A_200 = arith.addf %dot_general3A_198, %add3A_199 : vector<256x20xf32>
    %swap3A_201 = arith.constant 0 : index
    %swap3A_202 = arith.constant 3 : index
    %swap3A_203 = arith.constant 0 : index
    %swap3A_204 = arith.constant 0 : index
    %swap3A_205 = vector.load %arg13[%swap3A_201, %swap3A_202, %swap3A_203, %swap3A_204] : memref<1x8x256x20xf32, #tpu.memory_space<vmem>>, vector<1x1x256x20xf32>
    %swap3A_206 = vector.shape_cast %swap3A_205 : vector<1x1x256x20xf32> to vector<256x20xf32>
    %swap3A_207 = vector.shape_cast %add3A_200 : vector<256x20xf32> to vector<1x1x256x20xf32>
    tpu.vector_store %arg13[%swap3A_201, %swap3A_202, %swap3A_203, %swap3A_204], %swap3A_207 {strides = array<i32>} : memref<1x8x256x20xf32, #tpu.memory_space<vmem>>, vector<1x1x256x20xf32>,
    %convert_element_type3A_208 = arith.truncf %max3A_124 : vector<256x256xf32> to vector<256x256xbf16>
    %dot_general3A_209 = arith.constant dense<0.000000e+00> : vector<256x20xf32>
    %dot_general3A_210 = tpu.matmul %convert_element_type3A_208, %get3A_157, %dot_general3A_209 {dimension_numbers = #tpu.dot_dimension_numbers<[1], [0], [0], [1], [0, 0, 1, 1], [], []>, transpose_lhs_hint = false} : vector<256x256xbf16>, vector<256x20xbf16>, vector<256x20xf32> -> vector<256x20xf32>
    %add3A_211 = vector.broadcast %get3A_160 : vector<1x20xf32> to vector<256x20xf32>
    %add3A_212 = arith.addf %dot_general3A_210, %add3A_211 : vector<256x20xf32>
    %swap3A_213 = arith.constant 0 : index
    %swap3A_214 = arith.constant 4 : index
    %swap3A_215 = arith.constant 0 : index
    %swap3A_216 = arith.constant 0 : index
    %swap3A_217 = vector.load %arg13[%swap3A_213, %swap3A_214, %swap3A_215, %swap3A_216] : memref<1x8x256x20xf32, #tpu.memory_space<vmem>>, vector<1x1x256x20xf32>
    %swap3A_218 = vector.shape_cast %swap3A_217 : vector<1x1x256x20xf32> to vector<256x20xf32>
    %swap3A_219 = vector.shape_cast %add3A_212 : vector<256x20xf32> to vector<1x1x256x20xf32>
    tpu.vector_store %arg13[%swap3A_213, %swap3A_214, %swap3A_215, %swap3A_216], %swap3A_219 {strides = array<i32>} : memref<1x8x256x20xf32, #tpu.memory_space<vmem>>, vector<1x1x256x20xf32>,
    %convert_element_type3A_220 = arith.truncf %max3A_133 : vector<256x256xf32> to vector<256x256xbf16>
    %dot_general3A_221 = arith.constant dense<0.000000e+00> : vector<256x20xf32>
    %dot_general3A_222 = tpu.matmul %convert_element_type3A_220, %get3A_157, %dot_general3A_221 {dimension_numbers = #tpu.dot_dimension_numbers<[1], [0], [0], [1], [0, 0, 1, 1], [], []>, transpose_lhs_hint = false} : vector<256x256xbf16>, vector<256x20xbf16>, vector<256x20xf32> -> vector<256x20xf32>
    %add3A_223 = vector.broadcast %get3A_160 : vector<1x20xf32> to vector<256x20xf32>
    %add3A_224 = arith.addf %dot_general3A_222, %add3A_223 : vector<256x20xf32>
    %swap3A_225 = arith.constant 0 : index
    %swap3A_226 = arith.constant 5 : index
    %swap3A_227 = arith.constant 0 : index
    %swap3A_228 = arith.constant 0 : index
    %swap3A_229 = vector.load %arg13[%swap3A_225, %swap3A_226, %swap3A_227, %swap3A_228] : memref<1x8x256x20xf32, #tpu.memory_space<vmem>>, vector<1x1x256x20xf32>
    %swap3A_230 = vector.shape_cast %swap3A_229 : vector<1x1x256x20xf32> to vector<256x20xf32>
    %swap3A_231 = vector.shape_cast %add3A_224 : vector<256x20xf32> to vector<1x1x256x20xf32>
    tpu.vector_store %arg13[%swap3A_225, %swap3A_226, %swap3A_227, %swap3A_228], %swap3A_231 {strides = array<i32>} : memref<1x8x256x20xf32, #tpu.memory_space<vmem>>, vector<1x1x256x20xf32>,
    %convert_element_type3A_232 = arith.truncf %max3A_141 : vector<256x256xf32> to vector<256x256xbf16>
    %dot_general3A_233 = arith.constant dense<0.000000e+00> : vector<256x20xf32>
    %dot_general3A_234 = tpu.matmul %convert_element_type3A_232, %get3A_157, %dot_general3A_233 {dimension_numbers = #tpu.dot_dimension_numbers<[1], [0], [0], [1], [0, 0, 1, 1], [], []>, transpose_lhs_hint = false} : vector<256x256xbf16>, vector<256x20xbf16>, vector<256x20xf32> -> vector<256x20xf32>
    %add3A_235 = vector.broadcast %get3A_160 : vector<1x20xf32> to vector<256x20xf32>
    %add3A_236 = arith.addf %dot_general3A_234, %add3A_235 : vector<256x20xf32>
    %swap3A_237 = arith.constant 0 : index
    %swap3A_238 = arith.constant 6 : index
    %swap3A_239 = arith.constant 0 : index
    %swap3A_240 = arith.constant 0 : index
    %swap3A_241 = vector.load %arg13[%swap3A_237, %swap3A_238, %swap3A_239, %swap3A_240] : memref<1x8x256x20xf32, #tpu.memory_space<vmem>>, vector<1x1x256x20xf32>
    %swap3A_242 = vector.shape_cast %swap3A_241 : vector<1x1x256x20xf32> to vector<256x20xf32>
    %swap3A_243 = vector.shape_cast %add3A_236 : vector<256x20xf32> to vector<1x1x256x20xf32>
    tpu.vector_store %arg13[%swap3A_237, %swap3A_238, %swap3A_239, %swap3A_240], %swap3A_243 {strides = array<i32>} : memref<1x8x256x20xf32, #tpu.memory_space<vmem>>, vector<1x1x256x20xf32>,
    %convert_element_type3A_244 = arith.truncf %max3A_154 : vector<256x256xf32> to vector<256x256xbf16>
    %dot_general3A_245 = arith.constant dense<0.000000e+00> : vector<256x20xf32>
    %dot_general3A_246 = tpu.matmul %convert_element_type3A_244, %get3A_157, %dot_general3A_245 {dimension_numbers = #tpu.dot_dimension_numbers<[1], [0], [0], [1], [0, 0, 1, 1], [], []>, transpose_lhs_hint = false} : vector<256x256xbf16>, vector<256x20xbf16>, vector<256x20xf32> -> vector<256x20xf32>
    %add3A_247 = vector.broadcast %get3A_160 : vector<1x20xf32> to vector<256x20xf32>
    %add3A_248 = arith.addf %dot_general3A_246, %add3A_247 : vector<256x20xf32>
    %swap3A_249 = arith.constant 0 : index
    %swap3A_250 = arith.constant 7 : index
    %swap3A_251 = arith.constant 0 : index
    %swap3A_252 = arith.constant 0 : index
    %swap3A_253 = vector.load %arg13[%swap3A_249, %swap3A_250, %swap3A_251, %swap3A_252] : memref<1x8x256x20xf32, #tpu.memory_space<vmem>>, vector<1x1x256x20xf32>
    %swap3A_254 = vector.shape_cast %swap3A_253 : vector<1x1x256x20xf32> to vector<256x20xf32>
    %swap3A_255 = vector.shape_cast %add3A_248 : vector<256x20xf32> to vector<1x1x256x20xf32>
    tpu.vector_store %arg13[%swap3A_249, %swap3A_250, %swap3A_251, %swap3A_252], %swap3A_255 {strides = array<i32>} : memref<1x8x256x20xf32, #tpu.memory_space<vmem>>, vector<1x1x256x20xf32>,
    return
  }
  func.func @transform_0(%arg0: i32) -> (i32, i32, i32) {
    %c0_i32 = arith.constant 0 : i32
    %c0_i32_0 = arith.constant 0 : i32
    %c0_i32_1 = arith.constant 0 : i32
    return %arg0, %c0_i32, %c0_i32_0 : i32, i32, i32
  }
  func.func @transform_1(%arg0: i32) -> (i32, i32) {
    %c0_i32 = arith.constant 0 : i32
    %c0_i32_0 = arith.constant 0 : i32
    %c0_i32_1 = arith.constant 0 : i32
    return %c0_i32, %c0_i32_0 : i32, i32
  }
  func.func @transform_2(%arg0: i32) -> (i32, i32) {
    %c0_i32 = arith.constant 0 : i32
    %c0_i32_0 = arith.constant 0 : i32
    %c0_i32_1 = arith.constant 0 : i32
    return %c0_i32, %c0_i32_0 : i32, i32
  }
  func.func @transform_3(%arg0: i32) -> (i32, i32) {
    %c0_i32 = arith.constant 0 : i32
    %c0_i32_0 = arith.constant 0 : i32
    %c0_i32_1 = arith.constant 0 : i32
    return %c0_i32, %c0_i32_0 : i32, i32
  }
  func.func @transform_4(%arg0: i32) -> (i32, i32) {
    %c0_i32 = arith.constant 0 : i32
    %c0_i32_0 = arith.constant 0 : i32
    %c0_i32_1 = arith.constant 0 : i32
    return %c0_i32, %c0_i32_0 : i32, i32
  }
  func.func @transform_5(%arg0: i32) -> (i32, i32) {
    %c0_i32 = arith.constant 0 : i32
    %c0_i32_0 = arith.constant 0 : i32
    %c0_i32_1 = arith.constant 0 : i32
    return %c0_i32, %c0_i32_0 : i32, i32
  }
  func.func @transform_6(%arg0: i32) -> (i32, i32) {
    %c0_i32 = arith.constant 0 : i32
    %c0_i32_0 = arith.constant 0 : i32
    %c0_i32_1 = arith.constant 0 : i32
    return %c0_i32, %c0_i32_0 : i32, i32
  }
  func.func @transform_7(%arg0: i32) -> (i32, i32) {
    %c0_i32 = arith.constant 0 : i32
    %c0_i32_0 = arith.constant 0 : i32
    %c0_i32_1 = arith.constant 0 : i32
    return %c0_i32, %c0_i32_0 : i32, i32
  }
  func.func @transform_8(%arg0: i32) -> (i32, i32) {
    %c0_i32 = arith.constant 0 : i32
    %c0_i32_0 = arith.constant 0 : i32
    %c0_i32_1 = arith.constant 0 : i32
    return %c0_i32, %c0_i32_0 : i32, i32
  }
  func.func @transform_9(%arg0: i32) -> (i32, i32) {
    %c0_i32 = arith.constant 0 : i32
    %c0_i32_0 = arith.constant 0 : i32
    %c0_i32_1 = arith.constant 0 : i32
    return %c0_i32, %c0_i32_0 : i32, i32
  }
  func.func @transform_10(%arg0: i32) -> (i32, i32) {
    %c0_i32 = arith.constant 0 : i32
    %c0_i32_0 = arith.constant 0 : i32
    %c0_i32_1 = arith.constant 0 : i32
    return %c0_i32, %c0_i32_0 : i32, i32
  }
  func.func @transform_11(%arg0: i32) -> (i32, i32) {
    %c0_i32 = arith.constant 0 : i32
    %c0_i32_0 = arith.constant 0 : i32
    %c0_i32_1 = arith.constant 0 : i32
    return %c0_i32, %c0_i32_0 : i32, i32
  }
  func.func @transform_12(%arg0: i32) -> (i32, i32, i32, i32) {
    %c0_i32 = arith.constant 0 : i32
    %c0_i32_0 = arith.constant 0 : i32
    %c0_i32_1 = arith.constant 0 : i32
    %c0_i32_2 = arith.constant 0 : i32
    return %arg0, %c0_i32, %c0_i32_0, %c0_i32_1 : i32, i32, i32, i32
  }
}

</mosaic_0001>

<sc_bundles>
// kernel: kernel.5.cloned.1.call-start
scs
__scs_entry_jumppad:
0x0: {  	(pc) =	sbr.rel $0x88, $3  }
0x1: {  	(tag) =	ssettag $0x0;
	lr =	simm.s32 $0x1  }
0x2: {  	[smem:$0x3F8D] =	sst lr;
	_ =	strace $0xD0000000  }
0x3: {  	_ = 	snop  }
0x4: {  	_ = 	snop  }
0x5: {  	_ = 	snop  }
0x6: {  	_ = 	snop  }
0x7: {  	_ = 	snop  }
__scs_overlays_trampoline_lowered:
0x8: {  	[smem:$0x3F9C] =	sst s0  }
0x9: {  	[smem:$0x3F9D] =	sst s1  }
0xa: {  	[smem:$0x3F9E] =	sst s2  }
0xb: {  	[smem:$0x3F9F] =	sst s3  }
0xc: {  	[smem:$0x3FA0] =	sst s4  }
0xd: {  	[smem:$0x3FA1] =	sst s5  }
0xe: {  	[smem:$0x3FA2] =	sst s6  }
0xf: {  	[smem:$0x3FA3] =	sst s7  }
0x10: {  	[smem:$0x3FA4] =	sst s8  }
0x11: {  	[smem:$0x3FA5] =	sst s9;
	s0 =	simm.s32 @!p0 $0x0  }
0x12: {  	s1 =	sld [smem:$0x3F8B];
	s0 =	simm.s32 @p0 $0x1  }
0x13: {  	[smem:$0x3FA6] =	sst s0;
	s0 =	simm.s32 @!p1 $0x0  }
0x14: {  	s2 =	sld [smem:$0x3F8A];
	s0 =	simm.s32 @p1 $0x1  }
0x15: {  	[smem:$0x3FA7] =	sst s0;
	s0 =	simm.s32 @!p2 $0x0  }
0x16: {  	s3 =	sld [smem:$0x3FDB];
	s0 =	simm.s32 @p2 $0x1  }
0x17: {  	s4 =	simm.s32 $0x1BF5;
	[smem:$0x3FA9] =	sst s0  }
0x18: {  	s0 =	sld [smem:$0x3F8C];
	_ =	swait.ge [sflag:s4], $0x0  }
0x19: {  	s7 =	sld [smem:$0x3F8D]  }
0x1a: {  	s8 =	sadd.s32 $0xFFFFE003, lr  }
0x1b: {  	s9 =	sadd.s32 $0xFFFFFEF7, lr;
	s5 =	simm.s32 $0xFFFFFFFF;
	p2 =	slt.u32 s8, $0xFFFFF086  }
0x1c: {  	p1 =	slt.u32 s9, $0xF7A;
	s5 =	simm.s32 @!p2 $0x0  }
0x1d: {  	s5 =	simm.s32 @p1 $0x1;
	p0 =	seq.s32 s7, s2  }
0x1e: {  	s7 =	smul.u32 @!p0 $0xF7A, s2;
	p2 =	seq.s32 @!p0 s5, $0x0  }
0x1f: {  	s9 =	smul.u32 $0xF7A, s1;
	s8 =	simm.s32 @!p0 $0x1BF5;
	p2 =	por !p2, p0  }
0x20: {  	[sflag:s8] =	ssyncset.s32 @!p0 $0xFFFFF086;
	s6 =	sadd.s32 @!p0 s3, s7;
	s7 =	simm.s32 @!p0 $0x108  }
0x21: {  	s3 =	sadd.s32 s3, s9;
	s6 =	sadd.s32 @!p0 $0x88, s6;
	s7 =	simm.s32 @p2 $0x1082  }
0x22: {  	[simem:s7], [sflag:s8] =	dma.local @!p0 [hbm:s6], $0xF7A  }
0x23: {  	s9 =	sor.u32 $0xD0000000, s2;
	s6 =	simm.s32 $0x108;
	_ =	swait.ge @!p0 [sflag:s8], $0x0  }
0x24: {  	s3 =	sadd.s32 $0x88, s3;
	s6 =	simm.s32 @!p1 $0x1082;
	[sflag:s4] =	ssyncset.s32 $0xFFFFF086  }
0x25: {  	[simem:s6], [sflag:s4] =	dma.local [hbm:s3], $0xF7A  }
0x26: {  	[smem:$0x3F8D] =	sst s1;
	(tag) =	ssettag s2;
	_ =	strace s9  }
0x27: {  	s1 =	sld [smem:$0x3F9D]  }
0x28: {  	s2 =	sld [smem:$0x3F9E]  }
0x29: {  	s4 =	sld [smem:$0x3FA0]  }
0x2a: {  	p0 =	seq.s32 s5, $0x0;
	s5 =	sld [smem:$0x3FA1]  }
0x2b: {  	s6 =	sld [smem:$0x3FA2]  }
0x2c: {  	s7 =	sld [smem:$0x3FA3]  }
0x2d: {  	s3 =	simm.s32 $0x108;
	s8 =	sld [smem:$0x3FA4]  }
0x2e: {  	s3 =	simm.s32 @!p0 $0x1082;
	s9 =	sld [smem:$0x3FA5]  }
0x2f: {  	lr =	sadd.s32 s0, s3;
	s0 =	sld [smem:$0x3F9C]  }
0x30: {  	s3 =	sld [smem:$0x3F9F]  }
0x31: {  	[smem:$0x3FA8] =	sst s10  }
0x32: {  	s10 =	sld [smem:$0x3FA6];
	_ =	sdelay $0x3  }
0x33: {  	p0 =	seq.s32 s10, $0x1;
	s10 =	sld [smem:$0x3FA8];
	_ =	sdelay $0x3  }
0x34: {  	[smem:$0x3FA8] =	sst s10  }
0x35: {  	s10 =	sld [smem:$0x3FA7];
	_ =	sdelay $0x3  }
0x36: {  	p1 =	seq.s32 s10, $0x1;
	s10 =	sld [smem:$0x3FA8];
	_ =	sdelay $0x3  }
0x37: {  	[smem:$0x3FA8] =	sst s10  }
0x38: {  	s10 =	sld [smem:$0x3FA9]  }
0x39: {  	_ = 	snop;
	(pc) =	sbr.ind lr, $3  }
0x3a: {  	_ = 	snop  }
0x3b: {  	_ = 	snop  }
0x3c: {  	p2 =	seq.s32 s10, $0x1;
	s10 =	sld [smem:$0x3FA8]  }
0x3d: {  	_ =	shalt  }
0x3e: {  	_ =	shalt  }
0x3f: {  	_ =	shalt  }
0x40: {  	_ =	shalt  }
0x41: {  	_ =	shalt  }
0x42: {  	_ =	shalt  }
0x43: {  	_ =	shalt  }
0x44: {  	_ =	shalt  }
0x45: {  	_ =	shalt  }
0x46: {  	_ =	shalt  }
0x47: {  	_ =	shalt  }
0x48: {  	_ =	shalt  }
0x49: {  	_ =	shalt  }
0x4a: {  	_ =	shalt  }
0x4b: {  	_ =	shalt  }
0x4c: {  	_ =	shalt  }
0x4d: {  	_ =	shalt  }
0x4e: {  	_ =	shalt  }
0x4f: {  	_ =	shalt  }
0x50: {  	_ =	shalt  }
0x51: {  	_ =	shalt  }
0x52: {  	_ =	shalt  }
0x53: {  	_ =	shalt  }
0x54: {  	_ =	shalt  }
0x55: {  	_ =	shalt  }
0x56: {  	_ =	shalt  }
0x57: {  	_ =	shalt  }
0x58: {  	_ =	shalt  }
0x59: {  	_ =	shalt  }
0x5a: {  	_ =	shalt  }
0x5b: {  	_ =	shalt  }
0x5c: {  	_ =	shalt  }
0x5d: {  	_ =	shalt  }
0x5e: {  	_ =	shalt  }
0x5f: {  	_ =	shalt  }
0x60: {  	_ =	shalt  }
0x61: {  	_ =	shalt  }
0x62: {  	_ =	shalt  }
0x63: {  	_ =	shalt  }
0x64: {  	_ =	shalt  }
0x65: {  	_ =	shalt  }
0x66: {  	_ =	shalt  }
0x67: {  	_ =	shalt  }
0x68: {  	_ =	shalt  }
0x69: {  	_ =	shalt  }
0x6a: {  	_ =	shalt  }
0x6b: {  	_ =	shalt  }
0x6c: {  	_ =	shalt  }
0x6d: {  	_ =	shalt  }
0x6e: {  	_ =	shalt  }
0x6f: {  	_ =	shalt  }
0x70: {  	_ =	shalt  }
0x71: {  	_ =	shalt  }
0x72: {  	_ =	shalt  }
0x73: {  	_ =	shalt  }
0x74: {  	_ =	shalt  }
0x75: {  	_ =	shalt  }
0x76: {  	_ =	shalt  }
0x77: {  	_ =	shalt  }
0x78: {  	_ =	shalt  }
0x79: {  	_ =	shalt  }
0x7a: {  	_ =	shalt  }
0x7b: {  	_ =	shalt  }
0x7c: {  	_ =	shalt  }
0x7d: {  	_ =	shalt  }
0x7e: {  	_ =	shalt  }
0x7f: {  	_ =	shalt  }
0x80: {  	_ =	shalt  }
0x81: {  	_ =	shalt  }
0x82: {  	_ =	shalt  }
0x83: {  	_ =	shalt  }
0x84: {  	_ =	shalt  }
0x85: {  	_ =	shalt  }
0x86: {  	_ =	shalt  }
0x87: {  	_ =	shalt  }
.Lfunc_end0:
.L_simem_size_0:
called_computation_lowered:
.L_overlay_start_0:
0x88: {  	s2 =	sld [smem:$0x3FD9]  }
0x89: {  	s3 =	sld [smem:$0x3FFE];
	_ =	sdelay $0x1  }
0x8a: {  	s1 =	srdreg.scid  }
0x8b: {  	s0 =	sand.u32 $0x1, s1  }
0x8c: {  	s14 =	sshll.u32 s0, $0xA;
	s2 =	sadd.s32 s3, s2  }
0x8d: {  	s2 =	sadd.s32 s2, s14  }
0x8e: {  	[smem:$0x3FB4] =	sst s2  }
0x8f: {  	_ = 	snop  }
0x90: {  	s2 =	sld [smem:$0x3FD0];
	_ =	sdelay $0x2  }
0x91: {  	s4 =	simm.s32 $0xA;
	s5 =	simm.s32 $0x10;
	s15 =	sld [smem:$0x3FBE]  }
0x92: {  	[smem:s5], [sflag:s4] =	dma.local [hbm:s2], $0x1  }
0x93: {  	_ =	swait.eq [sflag:s4], $0x1  }
0x94: {  	[sflag:s4] =	ssyncset.done $0x0  }
0x95: {  	[sflag:s4] =	ssyncadd.s32 $0xFFFFFFFF  }
0x96: {  	s16 =	sld [smem:$0x13];
	(tm) =	ssettm $0x1  }
0x97: {  	s17 =	sld [smem:$0x3FFB];
	_ =	sdelay $0x3  }
0x98: {  	_ =	strace s17  }
0x99: {  	s4 =	sld [smem:$0x3FFC];
	_ =	sdelay $0x3  }
0x9a: {  	_ =	strace s4  }
0x9b: {  	s4 =	sld [smem:$0x3FFD];
	_ =	sdelay $0x3  }
0x9c: {  	_ =	strace s4  }
0x9d: {  	_ =	strace $0x8FFFFFFF  }
0x9e: {  	s18 =	sld [smem:$0x3FDB];
	_ =	sdelay $0x1  }
0x9f: {  	s19 =	simm.s32 $_scs_section_size  }
0xa0: {  	s6 =	simm.s32 $_size__tile_overlayer_lowered;
	s7 =	simm.s32 $_tile_overlayer_lowered  }
0xa1: {  	s22 =	simm.s32 $0x1BFF;
	s21 =	sshll.u32 s7, $0x1;
	s4 =	sadd.s32 s19, s18  }
0xa2: {  	s8 =	simm.s32 $0x0;
	s20 =	sshll.u32 s6, $0x1;
	s6 =	sadd.s32 s21, s4  }
0xa3: {  	[timem:s8], [sflag:s22] =	dma.local [hbm:s6], s20  }
0xa4: {  	_ =	swait.ge [sflag:s22], s20  }
0xa5: {  	s5 =	ssub.s32 $0x0, s20;
	[sflag:s22] =	ssyncset.done $0x0  }
0xa6: {  	[sflag:s22] =	ssyncadd.s32 s5;
	_ =	sdelay $0x1  }
0xa7: {  	s23 =	simm.s32 $0x1B8B  }
0xa8: {  	_ =	swait.ge [sflag:s23], $0x1  }
0xa9: {  	[sflag:s23] =	ssyncset.done $0x0  }
0xaa: {  	s25 =	simm.s32 $0x1B8E;
	s24 =	sld [smem:$0x3FFE];
	[sflag:s23] =	ssyncadd.s32 $0xFFFFFFFF  }
0xab: {  	s26 =	simm.s32 $execute0_lowered;
	[smem:$0x3FD2] =	sst s25  }
0xac: {  	s6 =	sshll.u32 s26, $0x1;
	_ =	strace $0x80000046;
	[dreg:$0x1] =	wrdreg $0xFFFFFFFF  }
0xad: {  	s28 =	simm.s32 $_size_execute0_lowered;
	s4 =	sadd.s32 s4, s6;
	[dreg:$0x0] =	wrdreg $0x0  }
0xae: {  	s6 =	sshll.u32 s28, $0x1;
	[dreg:$0x2] =	wrdreg s4  }
0xaf: {  	[dreg:$0x3] =	wrdreg s6  }
0xb0: {  	[dreg:$0x4] =	wrdreg $0xC0  }
0xb1: {  	_ =	task [dreg:s8], $0x5FFFF  }
0xb2: {  	[dreg:$0x1] =	wrdreg $0xFFFFFFFF  }
0xb3: {  	[dreg:$0x0] =	wrdreg $0x60  }
0xb4: {  	[dreg:$0x2] =	wrdreg s15  }
0xb5: {  	[dreg:$0x3] =	wrdreg s16  }
0xb6: {  	[dreg:$0x4] =	wrdreg s24  }
0xb7: {  	[dreg:$0x5] =	wrdreg $0x9  }
0xb8: {  	_ =	task.clear_ibuf [dreg:s8], $0x6FFFF;
	_ =	strace $0x90000046  }
0xb9: {  	s29 =	simm.s32 $0x9;
	_ =	strace $0x80000048  }
0xba: {  	_ =	swait.ge [sflag:s29], $0x1  }
0xbb: {  	[sflag:s29] =	ssyncadd.s32 $0xFFFFFFFF  }
0xbc: {  	_ =	strace $0x90000048  }
0xbd: {  	_ =	sfence  }
0xbe: {  	s30 =	sld [smem:$0x0];
	_ =	sdelay $0x2  }
0xbf: {  	s31 =	sshll.u32 s1, $0xD;
	s1 =	sshrl.u32 s1, $0x2  }
0xc0: {  	s3 =	sand.u32 $0x4000, s31;
	s1 =	sadd.s32 s1, s30  }
0xc1: {  	s0 =	sor.u32 s3, s0;
	s1 =	sshll.u32 s1, $0x11  }
0xc2: {  	s0 =	sor.u32 s1, s0  }
0xc3: {  	s0 =	sadd.s32 $0x8F2B, s0  }
0xc4: {  	[sflag:s0] =	ssyncadd.remote.s32 $0x1  }
0xc5: {  	_ =	sfence.sel $0xFFFF  }
0xc6: {  	[dreg:$0x0] =	wrdreg $0xFFFFFFFF;
	(pc) =	sbr.abs _section_cstart, $3  }
0xc7: {  	[dreg:$0x1] =	wrdreg $0xFFFFFFFF  }
0xc8: {  	_ =	task.clear_ibuf [dreg:s8], $0x2FFFF;
	_ =	strace $0x9FFFFFFF  }
0xc9: {  	(tm) =	ssettm $0x7FFFFFFF  }
tec
execute0_lowered:
.L_overlay_start_1:
0x0: {  	(tag) =	ssettag $0x1  }
0x1: {  	s1 =	rddreg [dreg:$0x0]  }
0x2: {  	s4 =	rddreg [dreg:$0x1]  }
0x3: {  	s5 =	rddreg [dreg:$0x2];
	s3 =	srdreg.scid  }
0x4: {  	s0 =	rddreg [dreg:$0x3];
	s2 =	stileid.u32;
	s10 =	simm.s32 $0x1080  }
0x5: {  	s11 =	simm.s32 $0x1880;
	s12 =	simm.s32 $0x2080;
	s13 =	simm.s32 $0x2880  }
0x6: {  	s14 =	simm.s32 $0x3080;
	s15 =	simm.s32 $0x3880;
	s16 =	simm.s32 $0x4080  }
0x7: {  	s17 =	simm.s32 $0x4880;
	s18 =	simm.s32 $0x5080;
	s19 =	simm.s32 $0x5880  }
0x8: {  	s20 =	simm.s32 $0x6080;
	s21 =	simm.s32 $0x6880;
	s22 =	simm.s32 $0x7080  }
0x9: {  	s23 =	simm.s32 $0x7880;
	s24 =	simm.s32 $0x1;
	s6 =	sand.u32 $0x1, s3  }
0xa: {  	s3 =	simm.s32 $0x0;
	s7 =	sshll.u32 s2, $0x8;
	s8 =	sshll.u32 s6, $0x7  }
0xb: {  	[smem:$0x7FF] =	sst s3;
	s6 =	ssub.s32 $0x2, s6;
	s7 =	sor.u32 s8, s7  }
0xc: {  	_ =	strace $0x80000047;
	s9 =	sshrl.u32 s6, $0x1;
	s8 =	sshll.u32 s7, $0x5  }
0xd: {  	v2 =	vlaneseq.u32;
	s6 =	ssub.s32 s6, s9;
	s7 =	sshrl.u32 s7, $0x3;
	s9 =	simm.s32 $0x880  }
0xe: {  	vm0 =	vmmov $0xffff;
	v1 =	vshrl.u32 v2, $0x3;
	s5 =	sadd.s32 s8, s5;
	s4 =	sadd.s32 s4, s7;
	s6 =	smax.u32 s6, $0x1  }
0xf: {  	v0 =	vand.u32 $0x7, v2;
	v2 =	vor.u32 $0x8, v2;
	v1 =	vmul.u32 $0x8, v1;
	s7 =	simm.s32 $0x2;
	s8 =	simm.s32 $0x80;
	s5 =	sadd.s32 $0x3200, s5  }
.LBB2_1:
0x10: {  	[tilespmem:s3], [sflag:$0x2] =	stream.linear.gather [hbm4b:s4+s3], $0x80, $0x38;
	[tilespmem:$0x8080] =	vst v63  }
0x11: {  	_ =	swait.ge [sflag:s7], $0x80  }
0x12: {  	[sflag:s7] =	ssyncset.done $0x0  }
0x13: {  	[sflag:s7] =	ssyncadd.s32 $0xFFFFFF80  }
0x14: {  	v3 =	vld [tilespmem:$0x0];
	_ =	sdelay $0x4  }
0x15: {  	v4 =	vshll.u32 v3, $0x1  }
0x16: {  	v3 =	vand.u32 $0x7, v3;
	v4 =	vand.u32 $0xFFFFFFF0, v4  }
0x17: {  	v3 =	vor.u32 v3, v4  }
0x18: {  	v4 =	vperm.xlane v3, v0;
	_ =	sdelay $0x1  }
0x19: {  	v3 =	vperm.xlane v3, v2;
	v4 =	vadd.s32 v1, v4;
	_ =	sdelay $0x1  }
0x1a: {  	v3 =	vadd.s32 v1, v3;
	_ =	sdelay $0x2  }
0x1b: {  	[tilespmem:s8], [sflag:$0x1] =	stream.indirect_vreg.gather [hbm4b:s1+s3], $0x80, v4, vm0, $0xb8;
	[tilespmem:$0x8080] =	vst v63  }
0x1c: {  	_ = 	snop  }
0x1d: {  	[tilespmem:s9], [sflag:$0x1] =	stream.indirect_vreg.gather [hbm4b:s1+s3], $0x80, v3, vm0, $0xb8;
	[tilespmem:$0x8080] =	vst v63  }
0x1e: {  	v3 =	vld [tilespmem:$0x10];
	_ =	sdelay $0x4  }
0x1f: {  	v57 =	vshll.u32 v3, $0x1  }
0x20: {  	v3 =	vand.u32 $0x7, v3;
	v4 =	vand.u32 $0xFFFFFFF0, v57  }
0x21: {  	v3 =	vor.u32 v3, v4  }
0x22: {  	v4 =	vperm.xlane v3, v0;
	_ =	sdelay $0x1  }
0x23: {  	v3 =	vperm.xlane v3, v2;
	v4 =	vadd.s32 v1, v4;
	_ =	sdelay $0x1  }
0x24: {  	v3 =	vadd.s32 v1, v3;
	_ =	sdelay $0x2  }
0x25: {  	[tilespmem:s10], [sflag:$0x1] =	stream.indirect_vreg.gather [hbm4b:s1+s3], $0x80, v4, vm0, $0xb8;
	[tilespmem:$0x8080] =	vst v63  }
0x26: {  	_ = 	snop  }
0x27: {  	[tilespmem:s11], [sflag:$0x1] =	stream.indirect_vreg.gather [hbm4b:s1+s3], $0x80, v3, vm0, $0xb8;
	[tilespmem:$0x8080] =	vst v63  }
0x28: {  	v3 =	vld [tilespmem:$0x20];
	_ =	sdelay $0x4  }
0x29: {  	v58 =	vshll.u32 v3, $0x1  }
0x2a: {  	v3 =	vand.u32 $0x7, v3;
	v4 =	vand.u32 $0xFFFFFFF0, v58  }
0x2b: {  	v3 =	vor.u32 v3, v4  }
0x2c: {  	v4 =	vperm.xlane v3, v0;
	_ =	sdelay $0x1  }
0x2d: {  	v3 =	vperm.xlane v3, v2;
	v4 =	vadd.s32 v1, v4;
	_ =	sdelay $0x1  }
0x2e: {  	v3 =	vadd.s32 v1, v3;
	_ =	sdelay $0x2  }
0x2f: {  	[tilespmem:s12], [sflag:$0x1] =	stream.indirect_vreg.gather [hbm4b:s1+s3], $0x80, v4, vm0, $0xb8;
	[tilespmem:$0x8080] =	vst v63  }
0x30: {  	_ = 	snop  }
0x31: {  	[tilespmem:s13], [sflag:$0x1] =	stream.indirect_vreg.gather [hbm4b:s1+s3], $0x80, v3, vm0, $0xb8;
	[tilespmem:$0x8080] =	vst v63  }
0x32: {  	v3 =	vld [tilespmem:$0x30];
	_ =	sdelay $0x4  }
0x33: {  	v59 =	vshll.u32 v3, $0x1  }
0x34: {  	v3 =	vand.u32 $0x7, v3;
	v4 =	vand.u32 $0xFFFFFFF0, v59  }
0x35: {  	v3 =	vor.u32 v3, v4  }
0x36: {  	v4 =	vperm.xlane v3, v0;
	_ =	sdelay $0x1  }
0x37: {  	v3 =	vperm.xlane v3, v2;
	v4 =	vadd.s32 v1, v4;
	_ =	sdelay $0x1  }
0x38: {  	v3 =	vadd.s32 v1, v3;
	_ =	sdelay $0x2  }
0x39: {  	[tilespmem:s14], [sflag:$0x1] =	stream.indirect_vreg.gather [hbm4b:s1+s3], $0x80, v4, vm0, $0xb8;
	[tilespmem:$0x8080] =	vst v63  }
0x3a: {  	_ = 	snop  }
0x3b: {  	[tilespmem:s15], [sflag:$0x1] =	stream.indirect_vreg.gather [hbm4b:s1+s3], $0x80, v3, vm0, $0xb8;
	[tilespmem:$0x8080] =	vst v63  }
0x3c: {  	v3 =	vld [tilespmem:$0x40];
	_ =	sdelay $0x4  }
0x3d: {  	v60 =	vshll.u32 v3, $0x1  }
0x3e: {  	v3 =	vand.u32 $0x7, v3;
	v4 =	vand.u32 $0xFFFFFFF0, v60  }
0x3f: {  	v3 =	vor.u32 v3, v4  }
0x40: {  	v4 =	vperm.xlane v3, v0;
	_ =	sdelay $0x1  }
0x41: {  	v3 =	vperm.xlane v3, v2;
	v4 =	vadd.s32 v1, v4;
	_ =	sdelay $0x1  }
0x42: {  	v3 =	vadd.s32 v1, v3;
	_ =	sdelay $0x2  }
0x43: {  	[tilespmem:s16], [sflag:$0x1] =	stream.indirect_vreg.gather [hbm4b:s1+s3], $0x80, v4, vm0, $0xb8;
	[tilespmem:$0x8080] =	vst v63  }
0x44: {  	_ = 	snop  }
0x45: {  	[tilespmem:s17], [sflag:$0x1] =	stream.indirect_vreg.gather [hbm4b:s1+s3], $0x80, v3, vm0, $0xb8;
	[tilespmem:$0x8080] =	vst v63  }
0x46: {  	v3 =	vld [tilespmem:$0x50];
	_ =	sdelay $0x4  }
0x47: {  	v61 =	vshll.u32 v3, $0x1  }
0x48: {  	v3 =	vand.u32 $0x7, v3;
	v4 =	vand.u32 $0xFFFFFFF0, v61  }
0x49: {  	v3 =	vor.u32 v3, v4  }
0x4a: {  	v4 =	vperm.xlane v3, v0;
	_ =	sdelay $0x1  }
0x4b: {  	v3 =	vperm.xlane v3, v2;
	v4 =	vadd.s32 v1, v4;
	_ =	sdelay $0x1  }
0x4c: {  	v3 =	vadd.s32 v1, v3;
	_ =	sdelay $0x2  }
0x4d: {  	[tilespmem:s18], [sflag:$0x1] =	stream.indirect_vreg.gather [hbm4b:s1+s3], $0x80, v4, vm0, $0xb8;
	[tilespmem:$0x8080] =	vst v63  }
0x4e: {  	_ = 	snop  }
0x4f: {  	[tilespmem:s19], [sflag:$0x1] =	stream.indirect_vreg.gather [hbm4b:s1+s3], $0x80, v3, vm0, $0xb8;
	[tilespmem:$0x8080] =	vst v63  }
0x50: {  	v3 =	vld [tilespmem:$0x60];
	_ =	sdelay $0x4  }
0x51: {  	v62 =	vshll.u32 v3, $0x1  }
0x52: {  	v3 =	vand.u32 $0x7, v3;
	v4 =	vand.u32 $0xFFFFFFF0, v62  }
0x53: {  	v3 =	vor.u32 v3, v4  }
0x54: {  	v4 =	vperm.xlane v3, v0;
	_ =	sdelay $0x1  }
0x55: {  	v3 =	vperm.xlane v3, v2;
	v4 =	vadd.s32 v1, v4;
	_ =	sdelay $0x1  }
0x56: {  	v3 =	vadd.s32 v1, v3;
	_ =	sdelay $0x2  }
0x57: {  	[tilespmem:s20], [sflag:$0x1] =	stream.indirect_vreg.gather [hbm4b:s1+s3], $0x80, v4, vm0, $0xb8;
	[tilespmem:$0x8080] =	vst v63  }
0x58: {  	_ = 	snop  }
0x59: {  	[tilespmem:s21], [sflag:$0x1] =	stream.indirect_vreg.gather [hbm4b:s1+s3], $0x80, v3, vm0, $0xb8;
	[tilespmem:$0x8080] =	vst v63  }
0x5a: {  	v3 =	vld [tilespmem:$0x70];
	_ =	sdelay $0x4  }
0x5b: {  	v63 =	vshll.u32 v3, $0x1  }
0x5c: {  	v3 =	vand.u32 $0x7, v3;
	v4 =	vand.u32 $0xFFFFFFF0, v63  }
0x5d: {  	v3 =	vor.u32 v3, v4  }
0x5e: {  	v4 =	vperm.xlane v3, v0;
	_ =	sdelay $0x1  }
0x5f: {  	v3 =	vperm.xlane v3, v2;
	v4 =	vadd.s32 v1, v4;
	_ =	sdelay $0x1  }
0x60: {  	v3 =	vadd.s32 v1, v3;
	_ =	sdelay $0x2  }
0x61: {  	[tilespmem:s22], [sflag:$0x1] =	stream.indirect_vreg.gather [hbm4b:s1+s3], $0x80, v4, vm0, $0xb8;
	[tilespmem:$0x8080] =	vst v63  }
0x62: {  	_ = 	snop  }
0x63: {  	[tilespmem:s23], [sflag:$0x1] =	stream.indirect_vreg.gather [hbm4b:s1+s3], $0x80, v3, vm0, $0xb8;
	[tilespmem:$0x8080] =	vst v63  }
0x64: {  	_ =	swait.ge [sflag:s24], $0x2000  }
0x65: {  	[sflag:s24] =	ssyncset.done $0x0  }
0x66: {  	[sflag:s24] =	ssyncadd.s32 $0xFFFFE000  }
0x67: {  	_ =	swait.ge [sflag:s24], $0x2000  }
0x68: {  	[sflag:s24] =	ssyncset.done $0x0  }
0x69: {  	[sflag:s24] =	ssyncadd.s32 $0xFFFFE000  }
0x6a: {  	_ =	swait.ge [sflag:s24], $0x2000  }
0x6b: {  	[sflag:s24] =	ssyncset.done $0x0  }
0x6c: {  	[sflag:s24] =	ssyncadd.s32 $0xFFFFE000  }
0x6d: {  	_ =	swait.ge [sflag:s24], $0x2000  }
0x6e: {  	p0 =	sne.s32 s6, $0x1;
	[sflag:s24] =	ssyncset.done $0x0  }
.Ltmp0:
0x6f: {  	[sflag:s24] =	ssyncadd.s32 $0xFFFFE000;
	(pc) =	sbr.rel @p0 .LBB2_1-.Ltmp0, $4  }
0x70: {  	[hbm4b:s5+s3] =	stream.linear.scatter [tilespmem:s8], [sflag:$0x2], $0x8000, $0x38;
	[tilespmem:$0x8080] =	vst v63  }
0x71: {  	_ =	swait.ge [sflag:s7], $0x8000  }
0x72: {  	[sflag:s7] =	ssyncset.done $0x0  }
0x73: {  	s6 =	sadd.s32 $0xFFFFFFFF, s6;
	[sflag:s7] =	ssyncadd.s32 $0xFFFF8000  }
0x74: {  	_ =	sfence.sel $0x180000  }
0x75: {  	[bflag:$0x0] =	sbarrier.arrive $0xFFFF  }
0x76: {  	p0 =	sne.s32 s2, $0x0;
	_ =	strace $0x90000047  }
0x77: {  	s0 =	sadd.s32 @!p0 $0x100000, s0;
	[bflag:$0x2] =	sbarrier.arrive $0xFFFF  }
0x78: {  	[sflag:s0] =	ssyncadd.tile.s32 @!p0 $0x1;
	_ =	shalt  }
.Lfunc_end2:
_tile_overlayer_lowered:
.L_overlay_start_2:
0x79: {  	(tag) =	ssettag $0x2  }
0x7a: {  	s0 =	rddreg [dreg:$0x0];
	s2 =	stileid.u32  }
0x7b: {  	s1 =	rddreg [dreg:$0x1];
	p0 =	sne.s32 s2, $0x0  }
0x7c: {  	s3 =	rddreg [dreg:$0x2];
	[bflag:$0x3] =	sbarrier.arrive $0xFFFF;
	s2 =	simm.s32 @!p0 $0x1C02  }
0x7d: {  	[timem:s3], [sflag:s2] =	dma.local @!p0 [hbm:s0], s1  }
0x7e: {  	s0 =	simm.s32 @!p0 $0x2  }
0x7f: {  	_ =	swait.ge @!p0 [sflag:s0], s1  }
0x80: {  	s1 =	ssub.s32 @!p0 $0x0, s1;
	[sflag:s0] =	ssyncset.done @!p0 $0x0  }
0x81: {  	[sflag:s0] =	ssyncadd.s32 @!p0 s1  }
0x82: {  	[bflag:$0x3] =	sbarrier.arrive $0xFFFF  }
0x83: {  	_ =	shalt  }

</sc_bundles>
